<compile_context>
chip_gen: v7x
topology: tpu7x:2x2x1
jax: 0.10.2.dev20260603
libtpu: 0.0.44.dev20260713+nightly
codegen_flags: <defaults>
</compile_context>

<pallas_src>
import functools

import jax
import jax.numpy as jnp
from jax import lax
from jax.experimental import pallas as pl
from jax.experimental.pallas import tpu as pltpu
from jax.experimental.pallas import tpu_sc as plsc

N_NODES = 100000
N_EDGES = 3200000
N_GRAPHS = 128

N_WORKERS = 32
EDGES_PER_TILE = N_EDGES // N_WORKERS
CHUNK_BY_FEAT = {16: 400, 8: 1000}
NSLOT_BY_FEAT = {16: 4, 8: 6}
INIT_STEP = 6248
INIT_TAIL = N_NODES - 16 * INIT_STEP
ZROWS = INIT_STEP + INIT_TAIL

TC_BLOCK = 4000
TC_GRID = N_NODES // TC_BLOCK


@functools.cache
def _sc_agg(feat):
  mesh = plsc.VectorSubcoreMesh(core_axis_name="c", subcore_axis_name="s",
                                num_cores=2, num_subcores=16)
  CHUNK = CHUNK_BY_FEAT[feat]
  NCHUNK = EDGES_PER_TILE // CHUNK
  NSLOT = NSLOT_BY_FEAT[feat]
  SWAIT_LAG = NSLOT - 2

  @functools.partial(
      pl.kernel,
      mesh=mesh,
      out_type=jax.ShapeDtypeStruct((2, N_NODES, feat), jnp.float32),
      scratch_types=[
          pltpu.VMEM((NSLOT, CHUNK), jnp.int32),
          pltpu.VMEM((NSLOT, CHUNK), jnp.int32),
          pltpu.VMEM((NSLOT, CHUNK, feat), jnp.float32),
          pltpu.VMEM_SHARED((N_NODES, feat), jnp.float32),
          pltpu.SemaphoreType.DMA((NSLOT,)),
          pltpu.SemaphoreType.DMA((NSLOT,)),
          pltpu.SemaphoreType.DMA((NSLOT,)),
      ],
      compiler_params=pltpu.CompilerParams(use_tc_tiling_on_sc=False),
  )
  def sc_agg(edge_hbm, table_hbm, zeros_hbm, out_hbm,
             src_v, dst_v, rows_v, acc_sh, gsem, ssem, isem):
    c = lax.axis_index("c")
    s = lax.axis_index("s")

    ibase = s * INIT_STEP

    @pl.when(c == 0)
    def _():
      pltpu.sync_copy(table_hbm.at[pl.ds(ibase, INIT_STEP)],
                      acc_sh.at[pl.ds(ibase, INIT_STEP)])

      @pl.when(s == 15)
      def _():
        pltpu.sync_copy(table_hbm.at[pl.ds(16 * INIT_STEP, INIT_TAIL)],
                        acc_sh.at[pl.ds(16 * INIT_STEP, INIT_TAIL)])

    @pl.when(c == 1)
    def _():
      pltpu.sync_copy(zeros_hbm.at[pl.ds(0, INIT_STEP)],
                      acc_sh.at[pl.ds(ibase, INIT_STEP)])

      @pl.when(s == 15)
      def _():
        pltpu.sync_copy(zeros_hbm.at[pl.ds(0, INIT_TAIL)],
                        acc_sh.at[pl.ds(16 * INIT_STEP, INIT_TAIL)])

    plsc.subcore_barrier()

    wid = c * 16 + s
    ebase0 = wid * EDGES_PER_TILE

    def istart(j, jm):
      eb = ebase0 + j * CHUNK
      pltpu.async_copy(edge_hbm.at[0, pl.ds(eb, CHUNK)], src_v.at[jm],
                       isem.at[jm])
      pltpu.async_copy(edge_hbm.at[1, pl.ds(eb, CHUNK)], dst_v.at[jm],
                       isem.at[jm])

    def iwait(jm):
      pltpu.make_async_copy(edge_hbm.at[0, pl.ds(0, CHUNK)], src_v.at[jm],
                            isem.at[jm]).wait()
      pltpu.make_async_copy(edge_hbm.at[1, pl.ds(0, CHUNK)], dst_v.at[jm],
                            isem.at[jm]).wait()

    def gstart(jm):
      pltpu.async_copy(table_hbm.at[src_v.at[jm]], rows_v.at[jm],
                       gsem.at[jm])

    def gwait(jm):
      pltpu.make_async_copy(table_hbm.at[pl.ds(0, CHUNK)], rows_v.at[jm],
                            gsem.at[jm]).wait()

    def sstart(jm):
      pltpu.async_copy(rows_v.at[jm], acc_sh.at[dst_v.at[jm]], ssem.at[jm],
                       add=True)

    def swait(jm):
      pltpu.make_async_copy(rows_v.at[jm], acc_sh.at[pl.ds(0, CHUNK)],
                            ssem.at[jm]).wait()

    istart(0, 0)
    istart(1, 1)
    iwait(0)
    gstart(0)

    def step(k, carry):
      km = k % NSLOT
      k1m = (k + 1) % NSLOT
      k2m = (k + 2) % NSLOT

      @pl.when(k >= SWAIT_LAG)
      def _():
        swait((k - SWAIT_LAG) % NSLOT)

      @pl.when(k + 2 < NCHUNK)
      def _():
        istart(k + 2, k2m)

      @pl.when(k + 1 < NCHUNK)
      def _():
        iwait(k1m)
        gstart(k1m)

      gwait(km)
      sstart(km)
      return carry

    lax.fori_loop(0, NCHUNK, step, 0)
    for j in range(max(0, NCHUNK - SWAIT_LAG), NCHUNK):
      swait(j % NSLOT)
    plsc.subcore_barrier()

    pltpu.sync_copy(acc_sh.at[pl.ds(ibase, INIT_STEP)],
                    out_hbm.at[c, pl.ds(ibase, INIT_STEP)])

    @pl.when(s == 15)
    def _():
      pltpu.sync_copy(acc_sh.at[pl.ds(16 * INIT_STEP, INIT_TAIL)],
                      out_hbm.at[c, pl.ds(16 * INIT_STEP, INIT_TAIL)])

  return sc_agg


def _tc1_body(parts_ref, w1_ref, b1_ref, w2_ref, b2_ref, w3_ref,
              g1_ref, bb1_ref, m1_ref, v1_ref, ptab_ref):
  h0 = parts_ref[0] + parts_ref[1]
  h1 = jnp.maximum(jnp.dot(h0, w1_ref[...],
                           preferred_element_type=jnp.float32) + b1_ref[...],
                   0.0)
  h = jnp.dot(h1, w2_ref[...], preferred_element_type=jnp.float32) + b2_ref[...]
  scale = g1_ref[...] * lax.rsqrt(v1_ref[...] + 1e-5)
  h = (h - m1_ref[...]) * scale + bb1_ref[...]
  h = jnp.maximum(h, 0.0)
  ptab_ref[...] = jnp.dot(h, w3_ref[...], preferred_element_type=jnp.float32)


def _tc2_body(parts_ref, batch_ref, b3_ref, w4_ref, b4_ref, g2_ref, bb2_ref,
              m2_ref, v2_ref, out_ref, sums_acc, cnts_acc):
  i = pl.program_id(0)

  @pl.when(i == 0)
  def _():
    sums_acc[...] = jnp.zeros_like(sums_acc)
    cnts_acc[...] = jnp.zeros_like(cnts_acc)

  h2p = parts_ref[0] + parts_ref[1] + b3_ref[...]
  r = jnp.maximum(h2p, 0.0)
  h2 = jnp.dot(r, w4_ref[...], preferred_element_type=jnp.float32) + b4_ref[...]
  scale = g2_ref[...] * lax.rsqrt(v2_ref[...] + 1e-5)
  h2 = (h2 - m2_ref[...]) * scale + bb2_ref[...]
  h2 = jnp.maximum(h2, 0.0)

  seg = batch_ref[0]
  gids = lax.broadcasted_iota(jnp.int32, (N_GRAPHS, TC_BLOCK), 0)
  onehot = (gids == seg).astype(jnp.float32)
  sums_acc[...] += jnp.dot(onehot, h2, preferred_element_type=jnp.float32)
  cnts_acc[...] += jnp.sum(onehot, axis=1, keepdims=True)

  @pl.when(i == TC_GRID - 1)
  def _():
    out_ref[...] = sums_acc[...] / jnp.maximum(cnts_acc[...], 1.0)


def kernel(x, edge_index, batch, W1, b1, W2, b2, W3, b3, W4, b4,
           bn1_g, bn1_b, bn1_m, bn1_v, bn2_g, bn2_b, bn2_m, bn2_v):
  zeros16 = jnp.zeros((ZROWS, 16), jnp.float32)
  zeros8 = jnp.zeros((ZROWS, 8), jnp.float32)

  parts1 = _sc_agg(16)(edge_index, x, zeros16)

  row = lambda a: a.reshape(1, -1)
  full = lambda shape: pl.BlockSpec(shape, lambda i: (0,) * len(shape))

  ptab = pl.pallas_call(
      _tc1_body,
      grid=(TC_GRID,),
      in_specs=[
          pl.BlockSpec((2, TC_BLOCK, 16), lambda i: (0, i, 0)),
          full((16, 64)), full((1, 64)), full((64, 64)), full((1, 64)),
          full((64, 8)),
          full((1, 64)), full((1, 64)), full((1, 64)), full((1, 64)),
      ],
      out_specs=pl.BlockSpec((TC_BLOCK, 8), lambda i: (i, 0)),
      out_shape=jax.ShapeDtypeStruct((N_NODES, 8), jnp.float32),
  )(parts1, W1, row(b1), W2, row(b2), W3,
    row(bn1_g), row(bn1_b), row(bn1_m), row(bn1_v))

  parts2 = _sc_agg(8)(edge_index, ptab, zeros8)

  batch3d = batch.astype(jnp.int32).reshape(TC_GRID, 1, TC_BLOCK)
  out = pl.pallas_call(
      _tc2_body,
      grid=(TC_GRID,),
      in_specs=[
          pl.BlockSpec((2, TC_BLOCK, 8), lambda i: (0, i, 0)),
          pl.BlockSpec((1, 1, TC_BLOCK), lambda i: (i, 0, 0)),
          full((1, 8)), full((8, 8)), full((1, 8)),
          full((1, 8)), full((1, 8)), full((1, 8)), full((1, 8)),
      ],
      out_specs=pl.BlockSpec((N_GRAPHS, 8), lambda i: (0, 0)),
      out_shape=jax.ShapeDtypeStruct((N_GRAPHS, 8), jnp.float32),
      scratch_shapes=[
          pltpu.VMEM((N_GRAPHS, 8), jnp.float32),
          pltpu.VMEM((N_GRAPHS, 1), jnp.float32),
      ],
  )(parts2, batch3d, row(b3), W4, row(b4),
    row(bn2_g), row(bn2_b), row(bn2_m), row(bn2_v))

  return out[:, None, :]

# --- scband reference (transcript-rebuilt; emitter-appended) ---
"""Pipeline reference for scband-simple-model-8349416423650 (READ-ONLY COPY).

The authoritative reference and input builder live on the scoring server;
editing this copy changes nothing except your own understanding.
"""

import jax, jax.numpy as jnp
import numpy as np

N = 100000
E = 3200000
FP = 16
G = 128


def setup_inputs(seed: int = 0) -> dict:
    key = jax.random.key(seed)
    ks = jax.random.split(key, 16)
    inp = {}
    inp['x'] = jax.random.normal(ks[0], (N, FP), dtype=jnp.float32)
    inp['edge_index'] = jax.random.randint(ks[1], (2, E), 0, N)
    inp['batch'] = jnp.sort(jax.random.randint(ks[2], (N,), 0, G))
    # GINConv1 MLP: Linear(16,64) -> ReLU -> Linear(64,64)
    inp['W1'] = jax.random.normal(ks[3], (FP, 64), dtype=jnp.float32) * (1.0 / np.sqrt(FP))
    inp['b1'] = jnp.zeros((64,), dtype=jnp.float32)
    inp['W2'] = jax.random.normal(ks[4], (64, 64), dtype=jnp.float32) * (1.0 / np.sqrt(64))
    inp['b2'] = jnp.zeros((64,), dtype=jnp.float32)
    # GINConv2 MLP: Linear(64,8) -> ReLU -> Linear(8,8)
    inp['W3'] = jax.random.normal(ks[5], (64, 8), dtype=jnp.float32) * (1.0 / np.sqrt(64))
    inp['b3'] = jnp.zeros((8,), dtype=jnp.float32)
    inp['W4'] = jax.random.normal(ks[6], (8, 8), dtype=jnp.float32) * (1.0 / np.sqrt(8))
    inp['b4'] = jnp.zeros((8,), dtype=jnp.float32)
    # BatchNorm1d(64) in eval mode: running stats
    inp['bn1_g'] = jnp.ones((64,), dtype=jnp.float32)
    inp['bn1_b'] = jnp.zeros((64,), dtype=jnp.float32)
    inp['bn1_m'] = jnp.zeros((64,), dtype=jnp.float32)
    inp['bn1_v'] = jnp.ones((64,), dtype=jnp.float32)
    # BatchNorm1d(8)
    inp['bn2_g'] = jnp.ones((8,), dtype=jnp.float32)
    inp['bn2_b'] = jnp.zeros((8,), dtype=jnp.float32)
    inp['bn2_m'] = jnp.zeros((8,), dtype=jnp.float32)
    inp['bn2_v'] = jnp.ones((8,), dtype=jnp.float32)
    return inp


def reference(x, edge_index, batch, W1, b1, W2, b2, W3, b3, W4, b4,
              bn1_g, bn1_b, bn1_m, bn1_v, bn2_g, bn2_b, bn2_m, bn2_v):
    src = edge_index[0]
    dst = edge_index[1]
    # GINConv layer 1: (1+eps)*x + sum_{j in N(i)} x_j, eps=0, then MLP
    agg = jnp.zeros_like(x).at[dst].add(x[src])
    h = x + agg
    h = jnp.maximum(h @ W1 + b1, 0.0) @ W2 + b2
    # BN1 (eval) + ReLU
    h = (h - bn1_m) / jnp.sqrt(bn1_v + 1e-5) * bn1_g + bn1_b
    h = jnp.maximum(h, 0.0)
    # dropout is identity in eval mode
    # GINConv layer 2
    agg2 = jnp.zeros_like(h).at[dst].add(h[src])
    h2 = h + agg2
    h2 = jnp.maximum(h2 @ W3 + b3, 0.0) @ W4 + b4
    # BN2 (eval) + ReLU
    h2 = (h2 - bn2_m) / jnp.sqrt(bn2_v + 1e-5) * bn2_g + bn2_b
    h2 = jnp.maximum(h2, 0.0)
    # scatter_mean over batch segments
    sums = jax.ops.segment_sum(h2, batch, num_segments=G)
    counts = jax.ops.segment_sum(jnp.ones((h2.shape[0], 1), h2.dtype), batch, num_segments=G)
    out = sums / jnp.maximum(counts, 1.0)
    return out[:, None, :]

if __name__ == "__main__":
    import jax
    _d = setup_inputs()
    print(jax.jit(kernel)(*tuple(_d.values())))

</pallas_src>

<mosaic_0001>
#map = affine_map<(d0, d1) -> (0, 0)>
#map1 = affine_map<(d0, d1) -> (0, 0, 0)>
module attributes {stable_mosaic.version = 14 : i64} {
  func.func @sc_agg(%arg0: i32, %arg1: i32, %arg2: memref<2x3200000xi32, #tpu.memory_space<hbm>>, %arg3: memref<100000x16xf32, #tpu.memory_space<hbm>>, %arg4: memref<6280x16xf32, #tpu.memory_space<hbm>>, %arg5: memref<2x100000x16xf32, #tpu.memory_space<hbm>>, %arg6: memref<4x400xi32, #tpu.memory_space<vmem>>, %arg7: memref<4x400xi32, #tpu.memory_space<vmem>>, %arg8: memref<4x400x16xf32, #tpu.memory_space<vmem>>, %arg9: memref<100000x16xf32, #tpu.memory_space<vmem_shared>>, %arg10: memref<4x!tpu.dma_semaphore, #tpu.memory_space<semaphore_mem>>, %arg11: memref<4x!tpu.dma_semaphore, #tpu.memory_space<semaphore_mem>>, %arg12: memref<4x!tpu.dma_semaphore, #tpu.memory_space<semaphore_mem>>) attributes {dimension_semantics = [#tpu.dimension_semantics<core_parallel>, #tpu.dimension_semantics<subcore_parallel>], iteration_bounds = array<i64: 2, 16>, scalar_prefetch = 0 : i64, scratch_operands = 7 : i64, tpu.core_type = #tpu.core_type<sc_vector_subcore>, window_params = [{transform_indices = #map}, {transform_indices = #map}, {transform_indices = #map}, {transform_indices = #map1}]} {
    %mul3A = arith.constant 6248 : i32
    %mul3A_0 = arith.muli %arg1, %mul3A : i32
    %eq3A = arith.constant 0 : i32
    %eq3A_1 = arith.cmpi eq, %arg0, %eq3A : i32
    %convert_element_type3A = arith.extui %eq3A_1 : i1 to i32
    %cond3A = arith.constant 0 : i32
    %cond3A_2 = arith.cmpi ne, %convert_element_type3A, %cond3A : i32
    scf.if %cond3A_2 {
      "tpu.region"() ({
        %run_scoped3A = tpu.sem_alloc : memref<!tpu.dma_semaphore, #tpu.memory_space<semaphore_mem>>
        %dma_start3A_175 = arith.constant 0 : i32
        %dma_start3A_176 = tpu.memref_slice %arg9[%mul3A_0, %dma_start3A_175] : memref<100000x16xf32, #tpu.memory_space<vmem_shared>> -> memref<6248x16xf32, #tpu.memory_space<vmem_shared>>
        %dma_start3A_177 = arith.constant 0 : i32
        %dma_start3A_178 = tpu.memref_slice %arg3[%mul3A_0, %dma_start3A_177] : memref<100000x16xf32, #tpu.memory_space<hbm>> -> memref<6248x16xf32, #tpu.memory_space<hbm>>
        tpu.enqueue_dma source(%dma_start3A_178 : memref<6248x16xf32, #tpu.memory_space<hbm>>) target(%dma_start3A_176 : memref<6248x16xf32, #tpu.memory_space<vmem_shared>>) target_semaphore(%run_scoped3A : memref<!tpu.dma_semaphore, #tpu.memory_space<semaphore_mem>>)
        %dma_wait3A_179 = arith.constant 0 : i32
        %dma_wait3A_180 = tpu.memref_slice %arg9[%mul3A_0, %dma_wait3A_179] : memref<100000x16xf32, #tpu.memory_space<vmem_shared>> -> memref<6248x16xf32, #tpu.memory_space<vmem_shared>>
        %dma_wait3A_181 = arith.constant 0 : i32
        %dma_wait3A_182 = tpu.memref_slice %arg3[%mul3A_0, %dma_wait3A_181] : memref<100000x16xf32, #tpu.memory_space<hbm>> -> memref<6248x16xf32, #tpu.memory_space<hbm>>
        tpu.wait_dma2 semaphore(%run_scoped3A : memref<!tpu.dma_semaphore, #tpu.memory_space<semaphore_mem>>) src(%dma_wait3A_182 : memref<6248x16xf32, #tpu.memory_space<hbm>>) dst(%dma_wait3A_180 : memref<6248x16xf32, #tpu.memory_space<vmem_shared>>)
        tpu.yield
      }) : () -> ()
      %eq3A_170 = arith.constant 15 : i32
      %eq3A_171 = arith.cmpi eq, %arg1, %eq3A_170 : i32
      %convert_element_type3A_172 = arith.extui %eq3A_171 : i1 to i32
      %cond3A_173 = arith.constant 0 : i32
      %cond3A_174 = arith.cmpi ne, %convert_element_type3A_172, %cond3A_173 : i32
      scf.if %cond3A_174 {
        "tpu.region"() ({
          %run_scoped3A = tpu.sem_alloc : memref<!tpu.dma_semaphore, #tpu.memory_space<semaphore_mem>>
          %dma_start3A_175 = arith.constant 99968 : i32
          %dma_start3A_176 = arith.constant 0 : i32
          %dma_start3A_177 = tpu.memref_slice %arg9[%dma_start3A_175, %dma_start3A_176] : memref<100000x16xf32, #tpu.memory_space<vmem_shared>> -> memref<32x16xf32, #tpu.memory_space<vmem_shared>>
          %dma_start3A_178 = arith.constant 99968 : i32
          %dma_start3A_179 = arith.constant 0 : i32
          %dma_start3A_180 = tpu.memref_slice %arg3[%dma_start3A_178, %dma_start3A_179] : memref<100000x16xf32, #tpu.memory_space<hbm>> -> memref<32x16xf32, #tpu.memory_space<hbm>>
          tpu.enqueue_dma source(%dma_start3A_180 : memref<32x16xf32, #tpu.memory_space<hbm>>) target(%dma_start3A_177 : memref<32x16xf32, #tpu.memory_space<vmem_shared>>) target_semaphore(%run_scoped3A : memref<!tpu.dma_semaphore, #tpu.memory_space<semaphore_mem>>)
          %dma_wait3A_181 = arith.constant 99968 : i32
          %dma_wait3A_182 = arith.constant 0 : i32
          %dma_wait3A_183 = tpu.memref_slice %arg9[%dma_wait3A_181, %dma_wait3A_182] : memref<100000x16xf32, #tpu.memory_space<vmem_shared>> -> memref<32x16xf32, #tpu.memory_space<vmem_shared>>
          %dma_wait3A_184 = arith.constant 99968 : i32
          %dma_wait3A_185 = arith.constant 0 : i32
          %dma_wait3A_186 = tpu.memref_slice %arg3[%dma_wait3A_184, %dma_wait3A_185] : memref<100000x16xf32, #tpu.memory_space<hbm>> -> memref<32x16xf32, #tpu.memory_space<hbm>>
          tpu.wait_dma2 semaphore(%run_scoped3A : memref<!tpu.dma_semaphore, #tpu.memory_space<semaphore_mem>>) src(%dma_wait3A_186 : memref<32x16xf32, #tpu.memory_space<hbm>>) dst(%dma_wait3A_183 : memref<32x16xf32, #tpu.memory_space<vmem_shared>>)
          tpu.yield
        }) : () -> ()
      } else {
      }
    } else {
    }
    %eq3A_3 = arith.constant 1 : i32
    %eq3A_4 = arith.cmpi eq, %arg0, %eq3A_3 : i32
    %convert_element_type3A_5 = arith.extui %eq3A_4 : i1 to i32
    %cond3A_6 = arith.constant 0 : i32
    %cond3A_7 = arith.cmpi ne, %convert_element_type3A_5, %cond3A_6 : i32
    scf.if %cond3A_7 {
      "tpu.region"() ({
        %run_scoped3A = tpu.sem_alloc : memref<!tpu.dma_semaphore, #tpu.memory_space<semaphore_mem>>
        %dma_start3A_175 = arith.constant 0 : i32
        %dma_start3A_176 = tpu.memref_slice %arg9[%mul3A_0, %dma_start3A_175] : memref<100000x16xf32, #tpu.memory_space<vmem_shared>> -> memref<6248x16xf32, #tpu.memory_space<vmem_shared>>
        %dma_start3A_177 = arith.constant 0 : i32
        %dma_start3A_178 = arith.constant 0 : i32
        %dma_start3A_179 = tpu.memref_slice %arg4[%dma_start3A_177, %dma_start3A_178] : memref<6280x16xf32, #tpu.memory_space<hbm>> -> memref<6248x16xf32, #tpu.memory_space<hbm>>
        tpu.enqueue_dma source(%dma_start3A_179 : memref<6248x16xf32, #tpu.memory_space<hbm>>) target(%dma_start3A_176 : memref<6248x16xf32, #tpu.memory_space<vmem_shared>>) target_semaphore(%run_scoped3A : memref<!tpu.dma_semaphore, #tpu.memory_space<semaphore_mem>>)
        %dma_wait3A_180 = arith.constant 0 : i32
        %dma_wait3A_181 = tpu.memref_slice %arg9[%mul3A_0, %dma_wait3A_180] : memref<100000x16xf32, #tpu.memory_space<vmem_shared>> -> memref<6248x16xf32, #tpu.memory_space<vmem_shared>>
        %dma_wait3A_182 = arith.constant 0 : i32
        %dma_wait3A_183 = arith.constant 0 : i32
        %dma_wait3A_184 = tpu.memref_slice %arg4[%dma_wait3A_182, %dma_wait3A_183] : memref<6280x16xf32, #tpu.memory_space<hbm>> -> memref<6248x16xf32, #tpu.memory_space<hbm>>
        tpu.wait_dma2 semaphore(%run_scoped3A : memref<!tpu.dma_semaphore, #tpu.memory_space<semaphore_mem>>) src(%dma_wait3A_184 : memref<6248x16xf32, #tpu.memory_space<hbm>>) dst(%dma_wait3A_181 : memref<6248x16xf32, #tpu.memory_space<vmem_shared>>)
        tpu.yield
      }) : () -> ()
      %eq3A_170 = arith.constant 15 : i32
      %eq3A_171 = arith.cmpi eq, %arg1, %eq3A_170 : i32
      %convert_element_type3A_172 = arith.extui %eq3A_171 : i1 to i32
      %cond3A_173 = arith.constant 0 : i32
      %cond3A_174 = arith.cmpi ne, %convert_element_type3A_172, %cond3A_173 : i32
      scf.if %cond3A_174 {
        "tpu.region"() ({
          %run_scoped3A = tpu.sem_alloc : memref<!tpu.dma_semaphore, #tpu.memory_space<semaphore_mem>>
          %dma_start3A_175 = arith.constant 99968 : i32
          %dma_start3A_176 = arith.constant 0 : i32
          %dma_start3A_177 = tpu.memref_slice %arg9[%dma_start3A_175, %dma_start3A_176] : memref<100000x16xf32, #tpu.memory_space<vmem_shared>> -> memref<32x16xf32, #tpu.memory_space<vmem_shared>>
          %dma_start3A_178 = arith.constant 0 : i32
          %dma_start3A_179 = arith.constant 0 : i32
          %dma_start3A_180 = tpu.memref_slice %arg4[%dma_start3A_178, %dma_start3A_179] : memref<6280x16xf32, #tpu.memory_space<hbm>> -> memref<32x16xf32, #tpu.memory_space<hbm>>
          tpu.enqueue_dma source(%dma_start3A_180 : memref<32x16xf32, #tpu.memory_space<hbm>>) target(%dma_start3A_177 : memref<32x16xf32, #tpu.memory_space<vmem_shared>>) target_semaphore(%run_scoped3A : memref<!tpu.dma_semaphore, #tpu.memory_space<semaphore_mem>>)
          %dma_wait3A_181 = arith.constant 99968 : i32
          %dma_wait3A_182 = arith.constant 0 : i32
          %dma_wait3A_183 = tpu.memref_slice %arg9[%dma_wait3A_181, %dma_wait3A_182] : memref<100000x16xf32, #tpu.memory_space<vmem_shared>> -> memref<32x16xf32, #tpu.memory_space<vmem_shared>>
          %dma_wait3A_184 = arith.constant 0 : i32
          %dma_wait3A_185 = arith.constant 0 : i32
          %dma_wait3A_186 = tpu.memref_slice %arg4[%dma_wait3A_184, %dma_wait3A_185] : memref<6280x16xf32, #tpu.memory_space<hbm>> -> memref<32x16xf32, #tpu.memory_space<hbm>>
          tpu.wait_dma2 semaphore(%run_scoped3A : memref<!tpu.dma_semaphore, #tpu.memory_space<semaphore_mem>>) src(%dma_wait3A_186 : memref<32x16xf32, #tpu.memory_space<hbm>>) dst(%dma_wait3A_183 : memref<32x16xf32, #tpu.memory_space<vmem_shared>>)
          tpu.yield
        }) : () -> ()
      } else {
      }
    } else {
    }
    %barrier3A = arith.constant 0 : index
    tpu.barrier barrier_id(%barrier3A)
    %mul3A_8 = arith.constant 16 : i32
    %mul3A_9 = arith.muli %arg0, %mul3A_8 : i32
    %add3A = arith.addi %mul3A_9, %arg1 : i32
    %mul3A_10 = arith.constant 100000 : i32
    %mul3A_11 = arith.muli %add3A, %mul3A_10 : i32
    %add3A_12 = arith.constant 0 : i32
    %add3A_13 = arith.addi %mul3A_11, %add3A_12 : i32
    %dma_start3A = arith.constant 0 : i32
    %dma_start3A_14 = arith.constant 0 : i32
    %dma_start3A_15 = arith.constant 0 : i32
    %dma_start3A_16 = arith.constant 0 : i32
    %dma_start3A_17 = tpu.memref_slice %arg6[%dma_start3A_14, %dma_start3A_16] : memref<4x400xi32, #tpu.memory_space<vmem>> -> memref<1x400xi32, #tpu.memory_space<vmem>>
    %dma_start3A_18 = tpu.memref_squeeze %dma_start3A_17 : memref<1x400xi32, #tpu.memory_space<vmem>> -> memref<400xi32, #tpu.memory_space<vmem>>
    %dma_start3A_19 = tpu.memref_slice %arg2[%dma_start3A, %add3A_13] : memref<2x3200000xi32, #tpu.memory_space<hbm>> -> memref<1x400xi32, #tpu.memory_space<hbm>>
    %dma_start3A_20 = tpu.memref_squeeze %dma_start3A_19 : memref<1x400xi32, #tpu.memory_space<hbm>> -> memref<400xi32, #tpu.memory_space<hbm>>
    %dma_start3A_21 = tpu.memref_slice %arg12[%dma_start3A_15] : memref<4x!tpu.dma_semaphore, #tpu.memory_space<semaphore_mem>> -> memref<1x!tpu.dma_semaphore, #tpu.memory_space<semaphore_mem>>
    %dma_start3A_22 = tpu.memref_squeeze %dma_start3A_21 : memref<1x!tpu.dma_semaphore, #tpu.memory_space<semaphore_mem>> -> memref<!tpu.dma_semaphore, #tpu.memory_space<semaphore_mem>>
    %dma_start3A_23 = arith.constant 0 : i32
    %dma_start3A_24 = tpu.memref_slice %arg6[%dma_start3A_14, %dma_start3A_23] : memref<4x400xi32, #tpu.memory_space<vmem>> -> memref<1x400xi32, #tpu.memory_space<vmem>>
    %dma_start3A_25 = tpu.memref_squeeze %dma_start3A_24 : memref<1x400xi32, #tpu.memory_space<vmem>> -> memref<400xi32, #tpu.memory_space<vmem>>
    %dma_start3A_26 = tpu.memref_slice %arg2[%dma_start3A, %add3A_13] : memref<2x3200000xi32, #tpu.memory_space<hbm>> -> memref<1x400xi32, #tpu.memory_space<hbm>>
    %dma_start3A_27 = tpu.memref_squeeze %dma_start3A_26 : memref<1x400xi32, #tpu.memory_space<hbm>> -> memref<400xi32, #tpu.memory_space<hbm>>
    tpu.enqueue_dma source(%dma_start3A_27 : memref<400xi32, #tpu.memory_space<hbm>>) target(%dma_start3A_25 : memref<400xi32, #tpu.memory_space<vmem>>) target_semaphore(%dma_start3A_22 : memref<!tpu.dma_semaphore, #tpu.memory_space<semaphore_mem>>)
    %dma_start3A_28 = arith.constant 1 : i32
    %dma_start3A_29 = arith.constant 0 : i32
    %dma_start3A_30 = arith.constant 0 : i32
    %dma_start3A_31 = arith.constant 0 : i32
    %dma_start3A_32 = tpu.memref_slice %arg7[%dma_start3A_29, %dma_start3A_31] : memref<4x400xi32, #tpu.memory_space<vmem>> -> memref<1x400xi32, #tpu.memory_space<vmem>>
    %dma_start3A_33 = tpu.memref_squeeze %dma_start3A_32 : memref<1x400xi32, #tpu.memory_space<vmem>> -> memref<400xi32, #tpu.memory_space<vmem>>
    %dma_start3A_34 = tpu.memref_slice %arg2[%dma_start3A_28, %add3A_13] : memref<2x3200000xi32, #tpu.memory_space<hbm>> -> memref<1x400xi32, #tpu.memory_space<hbm>>
    %dma_start3A_35 = tpu.memref_squeeze %dma_start3A_34 : memref<1x400xi32, #tpu.memory_space<hbm>> -> memref<400xi32, #tpu.memory_space<hbm>>
    %dma_start3A_36 = tpu.memref_slice %arg12[%dma_start3A_30] : memref<4x!tpu.dma_semaphore, #tpu.memory_space<semaphore_mem>> -> memref<1x!tpu.dma_semaphore, #tpu.memory_space<semaphore_mem>>
    %dma_start3A_37 = tpu.memref_squeeze %dma_start3A_36 : memref<1x!tpu.dma_semaphore, #tpu.memory_space<semaphore_mem>> -> memref<!tpu.dma_semaphore, #tpu.memory_space<semaphore_mem>>
    %dma_start3A_38 = arith.constant 0 : i32
    %dma_start3A_39 = tpu.memref_slice %arg7[%dma_start3A_29, %dma_start3A_38] : memref<4x400xi32, #tpu.memory_space<vmem>> -> memref<1x400xi32, #tpu.memory_space<vmem>>
    %dma_start3A_40 = tpu.memref_squeeze %dma_start3A_39 : memref<1x400xi32, #tpu.memory_space<vmem>> -> memref<400xi32, #tpu.memory_space<vmem>>
    %dma_start3A_41 = tpu.memref_slice %arg2[%dma_start3A_28, %add3A_13] : memref<2x3200000xi32, #tpu.memory_space<hbm>> -> memref<1x400xi32, #tpu.memory_space<hbm>>
    %dma_start3A_42 = tpu.memref_squeeze %dma_start3A_41 : memref<1x400xi32, #tpu.memory_space<hbm>> -> memref<400xi32, #tpu.memory_space<hbm>>
    tpu.enqueue_dma source(%dma_start3A_42 : memref<400xi32, #tpu.memory_space<hbm>>) target(%dma_start3A_40 : memref<400xi32, #tpu.memory_space<vmem>>) target_semaphore(%dma_start3A_37 : memref<!tpu.dma_semaphore, #tpu.memory_space<semaphore_mem>>)
    %add3A_43 = arith.constant 400 : i32
    %add3A_44 = arith.addi %mul3A_11, %add3A_43 : i32
    %dma_start3A_45 = arith.constant 0 : i32
    %dma_start3A_46 = arith.constant 1 : i32
    %dma_start3A_47 = arith.constant 1 : i32
    %dma_start3A_48 = arith.constant 0 : i32
    %dma_start3A_49 = tpu.memref_slice %arg6[%dma_start3A_46, %dma_start3A_48] : memref<4x400xi32, #tpu.memory_space<vmem>> -> memref<1x400xi32, #tpu.memory_space<vmem>>
    %dma_start3A_50 = tpu.memref_squeeze %dma_start3A_49 : memref<1x400xi32, #tpu.memory_space<vmem>> -> memref<400xi32, #tpu.memory_space<vmem>>
    %dma_start3A_51 = tpu.memref_slice %arg2[%dma_start3A_45, %add3A_44] : memref<2x3200000xi32, #tpu.memory_space<hbm>> -> memref<1x400xi32, #tpu.memory_space<hbm>>
    %dma_start3A_52 = tpu.memref_squeeze %dma_start3A_51 : memref<1x400xi32, #tpu.memory_space<hbm>> -> memref<400xi32, #tpu.memory_space<hbm>>
    %dma_start3A_53 = tpu.memref_slice %arg12[%dma_start3A_47] : memref<4x!tpu.dma_semaphore, #tpu.memory_space<semaphore_mem>> -> memref<1x!tpu.dma_semaphore, #tpu.memory_space<semaphore_mem>>
    %dma_start3A_54 = tpu.memref_squeeze %dma_start3A_53 : memref<1x!tpu.dma_semaphore, #tpu.memory_space<semaphore_mem>> -> memref<!tpu.dma_semaphore, #tpu.memory_space<semaphore_mem>>
    %dma_start3A_55 = arith.constant 0 : i32
    %dma_start3A_56 = tpu.memref_slice %arg6[%dma_start3A_46, %dma_start3A_55] : memref<4x400xi32, #tpu.memory_space<vmem>> -> memref<1x400xi32, #tpu.memory_space<vmem>>
    %dma_start3A_57 = tpu.memref_squeeze %dma_start3A_56 : memref<1x400xi32, #tpu.memory_space<vmem>> -> memref<400xi32, #tpu.memory_space<vmem>>
    %dma_start3A_58 = tpu.memref_slice %arg2[%dma_start3A_45, %add3A_44] : memref<2x3200000xi32, #tpu.memory_space<hbm>> -> memref<1x400xi32, #tpu.memory_space<hbm>>
    %dma_start3A_59 = tpu.memref_squeeze %dma_start3A_58 : memref<1x400xi32, #tpu.memory_space<hbm>> -> memref<400xi32, #tpu.memory_space<hbm>>
    tpu.enqueue_dma source(%dma_start3A_59 : memref<400xi32, #tpu.memory_space<hbm>>) target(%dma_start3A_57 : memref<400xi32, #tpu.memory_space<vmem>>) target_semaphore(%dma_start3A_54 : memref<!tpu.dma_semaphore, #tpu.memory_space<semaphore_mem>>)
    %dma_start3A_60 = arith.constant 1 : i32
    %dma_start3A_61 = arith.constant 1 : i32
    %dma_start3A_62 = arith.constant 1 : i32
    %dma_start3A_63 = arith.constant 0 : i32
    %dma_start3A_64 = tpu.memref_slice %arg7[%dma_start3A_61, %dma_start3A_63] : memref<4x400xi32, #tpu.memory_space<vmem>> -> memref<1x400xi32, #tpu.memory_space<vmem>>
    %dma_start3A_65 = tpu.memref_squeeze %dma_start3A_64 : memref<1x400xi32, #tpu.memory_space<vmem>> -> memref<400xi32, #tpu.memory_space<vmem>>
    %dma_start3A_66 = tpu.memref_slice %arg2[%dma_start3A_60, %add3A_44] : memref<2x3200000xi32, #tpu.memory_space<hbm>> -> memref<1x400xi32, #tpu.memory_space<hbm>>
    %dma_start3A_67 = tpu.memref_squeeze %dma_start3A_66 : memref<1x400xi32, #tpu.memory_space<hbm>> -> memref<400xi32, #tpu.memory_space<hbm>>
    %dma_start3A_68 = tpu.memref_slice %arg12[%dma_start3A_62] : memref<4x!tpu.dma_semaphore, #tpu.memory_space<semaphore_mem>> -> memref<1x!tpu.dma_semaphore, #tpu.memory_space<semaphore_mem>>
    %dma_start3A_69 = tpu.memref_squeeze %dma_start3A_68 : memref<1x!tpu.dma_semaphore, #tpu.memory_space<semaphore_mem>> -> memref<!tpu.dma_semaphore, #tpu.memory_space<semaphore_mem>>
    %dma_start3A_70 = arith.constant 0 : i32
    %dma_start3A_71 = tpu.memref_slice %arg7[%dma_start3A_61, %dma_start3A_70] : memref<4x400xi32, #tpu.memory_space<vmem>> -> memref<1x400xi32, #tpu.memory_space<vmem>>
    %dma_start3A_72 = tpu.memref_squeeze %dma_start3A_71 : memref<1x400xi32, #tpu.memory_space<vmem>> -> memref<400xi32, #tpu.memory_space<vmem>>
    %dma_start3A_73 = tpu.memref_slice %arg2[%dma_start3A_60, %add3A_44] : memref<2x3200000xi32, #tpu.memory_space<hbm>> -> memref<1x400xi32, #tpu.memory_space<hbm>>
    %dma_start3A_74 = tpu.memref_squeeze %dma_start3A_73 : memref<1x400xi32, #tpu.memory_space<hbm>> -> memref<400xi32, #tpu.memory_space<hbm>>
    tpu.enqueue_dma source(%dma_start3A_74 : memref<400xi32, #tpu.memory_space<hbm>>) target(%dma_start3A_72 : memref<400xi32, #tpu.memory_space<vmem>>) target_semaphore(%dma_start3A_69 : memref<!tpu.dma_semaphore, #tpu.memory_space<semaphore_mem>>)
    %dma_wait3A = arith.constant 0 : i32
    %dma_wait3A_75 = arith.constant 0 : i32
    %dma_wait3A_76 = arith.constant 0 : i32
    %dma_wait3A_77 = arith.constant 0 : i32
    %dma_wait3A_78 = tpu.memref_slice %arg6[%dma_wait3A_75, %dma_wait3A_77] : memref<4x400xi32, #tpu.memory_space<vmem>> -> memref<1x400xi32, #tpu.memory_space<vmem>>
    %dma_wait3A_79 = tpu.memref_squeeze %dma_wait3A_78 : memref<1x400xi32, #tpu.memory_space<vmem>> -> memref<400xi32, #tpu.memory_space<vmem>>
    %dma_wait3A_80 = arith.constant 0 : i32
    %dma_wait3A_81 = tpu.memref_slice %arg2[%dma_wait3A, %dma_wait3A_80] : memref<2x3200000xi32, #tpu.memory_space<hbm>> -> memref<1x400xi32, #tpu.memory_space<hbm>>
    %dma_wait3A_82 = tpu.memref_squeeze %dma_wait3A_81 : memref<1x400xi32, #tpu.memory_space<hbm>> -> memref<400xi32, #tpu.memory_space<hbm>>
    %dma_wait3A_83 = tpu.memref_slice %arg12[%dma_wait3A_76] : memref<4x!tpu.dma_semaphore, #tpu.memory_space<semaphore_mem>> -> memref<1x!tpu.dma_semaphore, #tpu.memory_space<semaphore_mem>>
    %dma_wait3A_84 = tpu.memref_squeeze %dma_wait3A_83 : memref<1x!tpu.dma_semaphore, #tpu.memory_space<semaphore_mem>> -> memref<!tpu.dma_semaphore, #tpu.memory_space<semaphore_mem>>
    %dma_wait3A_85 = arith.constant 0 : i32
    %dma_wait3A_86 = tpu.memref_slice %arg6[%dma_wait3A_75, %dma_wait3A_85] : memref<4x400xi32, #tpu.memory_space<vmem>> -> memref<1x400xi32, #tpu.memory_space<vmem>>
    %dma_wait3A_87 = tpu.memref_squeeze %dma_wait3A_86 : memref<1x400xi32, #tpu.memory_space<vmem>> -> memref<400xi32, #tpu.memory_space<vmem>>
    %dma_wait3A_88 = arith.constant 0 : i32
    %dma_wait3A_89 = tpu.memref_slice %arg2[%dma_wait3A, %dma_wait3A_88] : memref<2x3200000xi32, #tpu.memory_space<hbm>> -> memref<1x400xi32, #tpu.memory_space<hbm>>
    %dma_wait3A_90 = tpu.memref_squeeze %dma_wait3A_89 : memref<1x400xi32, #tpu.memory_space<hbm>> -> memref<400xi32, #tpu.memory_space<hbm>>
    tpu.wait_dma2 semaphore(%dma_wait3A_84 : memref<!tpu.dma_semaphore, #tpu.memory_space<semaphore_mem>>) src(%dma_wait3A_90 : memref<400xi32, #tpu.memory_space<hbm>>) dst(%dma_wait3A_87 : memref<400xi32, #tpu.memory_space<vmem>>)
    %dma_wait3A_91 = arith.constant 1 : i32
    %dma_wait3A_92 = arith.constant 0 : i32
    %dma_wait3A_93 = arith.constant 0 : i32
    %dma_wait3A_94 = arith.constant 0 : i32
    %dma_wait3A_95 = tpu.memref_slice %arg7[%dma_wait3A_92, %dma_wait3A_94] : memref<4x400xi32, #tpu.memory_space<vmem>> -> memref<1x400xi32, #tpu.memory_space<vmem>>
    %dma_wait3A_96 = tpu.memref_squeeze %dma_wait3A_95 : memref<1x400xi32, #tpu.memory_space<vmem>> -> memref<400xi32, #tpu.memory_space<vmem>>
    %dma_wait3A_97 = arith.constant 0 : i32
    %dma_wait3A_98 = tpu.memref_slice %arg2[%dma_wait3A_91, %dma_wait3A_97] : memref<2x3200000xi32, #tpu.memory_space<hbm>> -> memref<1x400xi32, #tpu.memory_space<hbm>>
    %dma_wait3A_99 = tpu.memref_squeeze %dma_wait3A_98 : memref<1x400xi32, #tpu.memory_space<hbm>> -> memref<400xi32, #tpu.memory_space<hbm>>
    %dma_wait3A_100 = tpu.memref_slice %arg12[%dma_wait3A_93] : memref<4x!tpu.dma_semaphore, #tpu.memory_space<semaphore_mem>> -> memref<1x!tpu.dma_semaphore, #tpu.memory_space<semaphore_mem>>
    %dma_wait3A_101 = tpu.memref_squeeze %dma_wait3A_100 : memref<1x!tpu.dma_semaphore, #tpu.memory_space<semaphore_mem>> -> memref<!tpu.dma_semaphore, #tpu.memory_space<semaphore_mem>>
    %dma_wait3A_102 = arith.constant 0 : i32
    %dma_wait3A_103 = tpu.memref_slice %arg7[%dma_wait3A_92, %dma_wait3A_102] : memref<4x400xi32, #tpu.memory_space<vmem>> -> memref<1x400xi32, #tpu.memory_space<vmem>>
    %dma_wait3A_104 = tpu.memref_squeeze %dma_wait3A_103 : memref<1x400xi32, #tpu.memory_space<vmem>> -> memref<400xi32, #tpu.memory_space<vmem>>
    %dma_wait3A_105 = arith.constant 0 : i32
    %dma_wait3A_106 = tpu.memref_slice %arg2[%dma_wait3A_91, %dma_wait3A_105] : memref<2x3200000xi32, #tpu.memory_space<hbm>> -> memref<1x400xi32, #tpu.memory_space<hbm>>
    %dma_wait3A_107 = tpu.memref_squeeze %dma_wait3A_106 : memref<1x400xi32, #tpu.memory_space<hbm>> -> memref<400xi32, #tpu.memory_space<hbm>>
    tpu.wait_dma2 semaphore(%dma_wait3A_101 : memref<!tpu.dma_semaphore, #tpu.memory_space<semaphore_mem>>) src(%dma_wait3A_107 : memref<400xi32, #tpu.memory_space<hbm>>) dst(%dma_wait3A_104 : memref<400xi32, #tpu.memory_space<vmem>>)
    %dma_start3A_108 = arith.constant 0 : i32
    %dma_start3A_109 = arith.constant 0 : i32
    %dma_start3A_110 = arith.constant 0 : i32
    %dma_start3A_111 = arith.constant 0 : i32
    %dma_start3A_112 = arith.constant 0 : i32
    %dma_start3A_113 = tpu.memref_slice %arg8[%dma_start3A_109, %dma_start3A_111, %dma_start3A_112] : memref<4x400x16xf32, #tpu.memory_space<vmem>> -> memref<1x400x16xf32, #tpu.memory_space<vmem>>
    %dma_start3A_114 = tpu.memref_squeeze %dma_start3A_113 : memref<1x400x16xf32, #tpu.memory_space<vmem>> -> memref<400x16xf32, #tpu.memory_space<vmem>>
    %dma_start3A_115 = arith.constant 0 : i32
    %dma_start3A_116 = tpu.memref_slice %arg6[%dma_start3A_108, %dma_start3A_115] : memref<4x400xi32, #tpu.memory_space<vmem>> -> memref<1x400xi32, #tpu.memory_space<vmem>>
    %dma_start3A_117 = tpu.memref_squeeze %dma_start3A_116 : memref<1x400xi32, #tpu.memory_space<vmem>> -> memref<400xi32, #tpu.memory_space<vmem>>
    %dma_start3A_118 = arith.constant 0 : i32
    %dma_start3A_119 = arith.constant 0 : i32
    %dma_start3A_120 = tpu.memref_slice %arg3[%dma_start3A_118, %dma_start3A_119] : memref<100000x16xf32, #tpu.memory_space<hbm>> -> memref<100000x16xf32, #tpu.memory_space<hbm>>
    %dma_start3A_121 = tpu.memref_slice %arg10[%dma_start3A_110] : memref<4x!tpu.dma_semaphore, #tpu.memory_space<semaphore_mem>> -> memref<1x!tpu.dma_semaphore, #tpu.memory_space<semaphore_mem>>
    %dma_start3A_122 = tpu.memref_squeeze %dma_start3A_121 : memref<1x!tpu.dma_semaphore, #tpu.memory_space<semaphore_mem>> -> memref<!tpu.dma_semaphore, #tpu.memory_space<semaphore_mem>>
    tpu.enqueue_indirect_dma source(%dma_start3A_120 : memref<100000x16xf32, #tpu.memory_space<hbm>>) target(%dma_start3A_114 : memref<400x16xf32, #tpu.memory_space<vmem>>) offsets(%dma_start3A_117 : memref<400xi32, #tpu.memory_space<vmem>>) semaphore(%dma_start3A_122 : memref<!tpu.dma_semaphore, #tpu.memory_space<semaphore_mem>>)
    %scan3A = arith.constant 0 : i32
    %scan3A_123 = arith.constant 0 : i32
    %scan3A_124 = arith.constant 250 : i32
    %scan3A_125 = arith.addi %scan3A_123, %scan3A_124 : i32
    %scan3A_126 = arith.constant 1 : i32
    scf.for %scan3A_170 = %scan3A_123 to %scan3A_125 step %scan3A_126  : i32 {
      %jit3A = arith.constant 4 : i32
      %eq3A_171 = arith.constant 0 : i32
      %eq3A_172 = arith.cmpi eq, %jit3A, %eq3A_171 : i32
      %jit3A_173 = arith.constant 1 : i32
      %select_n3A = arith.select %eq3A_172, %jit3A_173, %jit3A : i32
      %rem3A = arith.remsi %scan3A_170, %select_n3A : i32
      %ne3A = arith.constant 0 : i32
      %ne3A_174 = arith.cmpi ne, %rem3A, %ne3A : i32
      %lt3A = arith.constant 0 : i32
      %lt3A_175 = arith.cmpi slt, %rem3A, %lt3A : i32
      %lt3A_176 = arith.constant 0 : i32
      %lt3A_177 = arith.cmpi slt, %select_n3A, %lt3A_176 : i32
      %ne3A_178 = arith.xori %lt3A_175, %lt3A_177 : i1
      %and3A = arith.andi %ne3A_178, %ne3A_174 : i1
      %add3A_179 = arith.addi %rem3A, %select_n3A : i32
      %select_n3A_180 = arith.select %and3A, %add3A_179, %rem3A : i32
      %add3A_181 = arith.constant 1 : i32
      %add3A_182 = arith.addi %scan3A_170, %add3A_181 : i32
      %jit3A_183 = arith.constant 4 : i32
      %eq3A_184 = arith.constant 0 : i32
      %eq3A_185 = arith.cmpi eq, %jit3A_183, %eq3A_184 : i32
      %jit3A_186 = arith.constant 1 : i32
      %select_n3A_187 = arith.select %eq3A_185, %jit3A_186, %jit3A_183 : i32
      %rem3A_188 = arith.remsi %add3A_182, %select_n3A_187 : i32
      %ne3A_189 = arith.constant 0 : i32
      %ne3A_190 = arith.cmpi ne, %rem3A_188, %ne3A_189 : i32
      %lt3A_191 = arith.constant 0 : i32
      %lt3A_192 = arith.cmpi slt, %rem3A_188, %lt3A_191 : i32
      %lt3A_193 = arith.constant 0 : i32
      %lt3A_194 = arith.cmpi slt, %select_n3A_187, %lt3A_193 : i32
      %ne3A_195 = arith.xori %lt3A_192, %lt3A_194 : i1
      %and3A_196 = arith.andi %ne3A_195, %ne3A_190 : i1
      %add3A_197 = arith.addi %rem3A_188, %select_n3A_187 : i32
      %select_n3A_198 = arith.select %and3A_196, %add3A_197, %rem3A_188 : i32
      %add3A_199 = arith.constant 2 : i32
      %add3A_200 = arith.addi %scan3A_170, %add3A_199 : i32
      %jit3A_201 = arith.constant 4 : i32
      %eq3A_202 = arith.constant 0 : i32
      %eq3A_203 = arith.cmpi eq, %jit3A_201, %eq3A_202 : i32
      %jit3A_204 = arith.constant 1 : i32
      %select_n3A_205 = arith.select %eq3A_203, %jit3A_204, %jit3A_201 : i32
      %rem3A_206 = arith.remsi %add3A_200, %select_n3A_205 : i32
      %ne3A_207 = arith.constant 0 : i32
      %ne3A_208 = arith.cmpi ne, %rem3A_206, %ne3A_207 : i32
      %lt3A_209 = arith.constant 0 : i32
      %lt3A_210 = arith.cmpi slt, %rem3A_206, %lt3A_209 : i32
      %lt3A_211 = arith.constant 0 : i32
      %lt3A_212 = arith.cmpi slt, %select_n3A_205, %lt3A_211 : i32
      %ne3A_213 = arith.xori %lt3A_210, %lt3A_212 : i1
      %and3A_214 = arith.andi %ne3A_213, %ne3A_208 : i1
      %add3A_215 = arith.addi %rem3A_206, %select_n3A_205 : i32
      %select_n3A_216 = arith.select %and3A_214, %add3A_215, %rem3A_206 : i32
      %ge3A = arith.constant 2 : i32
      %ge3A_217 = arith.cmpi sge, %scan3A_170, %ge3A : i32
      %convert_element_type3A_218 = arith.extui %ge3A_217 : i1 to i32
      %cond3A_219 = arith.constant 0 : i32
      %cond3A_220 = arith.cmpi ne, %convert_element_type3A_218, %cond3A_219 : i32
      scf.if %cond3A_220 {
        %sub3A = arith.constant 2 : i32
        %sub3A_263 = arith.subi %scan3A_170, %sub3A : i32
        %jit3A_264 = arith.constant 4 : i32
        %eq3A_265 = arith.constant 0 : i32
        %eq3A_266 = arith.cmpi eq, %jit3A_264, %eq3A_265 : i32
        %jit3A_267 = arith.constant 1 : i32
        %select_n3A_268 = arith.select %eq3A_266, %jit3A_267, %jit3A_264 : i32
        %rem3A_269 = arith.remsi %sub3A_263, %select_n3A_268 : i32
        %ne3A_270 = arith.constant 0 : i32
        %ne3A_271 = arith.cmpi ne, %rem3A_269, %ne3A_270 : i32
        %lt3A_272 = arith.constant 0 : i32
        %lt3A_273 = arith.cmpi slt, %rem3A_269, %lt3A_272 : i32
        %lt3A_274 = arith.constant 0 : i32
        %lt3A_275 = arith.cmpi slt, %select_n3A_268, %lt3A_274 : i32
        %ne3A_276 = arith.xori %lt3A_273, %lt3A_275 : i1
        %and3A_277 = arith.andi %ne3A_276, %ne3A_271 : i1
        %add3A_278 = arith.addi %rem3A_269, %select_n3A_268 : i32
        %select_n3A_279 = arith.select %and3A_277, %add3A_278, %rem3A_269 : i32
        %dma_wait3A_280 = arith.constant 0 : i32
        %dma_wait3A_281 = arith.constant 0 : i32
        %dma_wait3A_282 = tpu.memref_slice %arg8[%select_n3A_279, %dma_wait3A_280, %dma_wait3A_281] : memref<4x400x16xf32, #tpu.memory_space<vmem>> -> memref<1x400x16xf32, #tpu.memory_space<vmem>>
        %dma_wait3A_283 = tpu.memref_squeeze %dma_wait3A_282 : memref<1x400x16xf32, #tpu.memory_space<vmem>> -> memref<400x16xf32, #tpu.memory_space<vmem>>
        %dma_wait3A_284 = arith.constant 0 : i32
        %dma_wait3A_285 = arith.constant 0 : i32
        %dma_wait3A_286 = tpu.memref_slice %arg9[%dma_wait3A_284, %dma_wait3A_285] : memref<100000x16xf32, #tpu.memory_space<vmem_shared>> -> memref<400x16xf32, #tpu.memory_space<vmem_shared>>
        %dma_wait3A_287 = tpu.memref_slice %arg11[%select_n3A_279] : memref<4x!tpu.dma_semaphore, #tpu.memory_space<semaphore_mem>> -> memref<1x!tpu.dma_semaphore, #tpu.memory_space<semaphore_mem>>
        %dma_wait3A_288 = tpu.memref_squeeze %dma_wait3A_287 : memref<1x!tpu.dma_semaphore, #tpu.memory_space<semaphore_mem>> -> memref<!tpu.dma_semaphore, #tpu.memory_space<semaphore_mem>>
        %dma_wait3A_289 = arith.constant 0 : i32
        %dma_wait3A_290 = arith.constant 0 : i32
        %dma_wait3A_291 = tpu.memref_slice %arg9[%dma_wait3A_289, %dma_wait3A_290] : memref<100000x16xf32, #tpu.memory_space<vmem_shared>> -> memref<400x16xf32, #tpu.memory_space<vmem_shared>>
        %dma_wait3A_292 = arith.constant 0 : i32
        %dma_wait3A_293 = arith.constant 0 : i32
        %dma_wait3A_294 = tpu.memref_slice %arg8[%select_n3A_279, %dma_wait3A_292, %dma_wait3A_293] : memref<4x400x16xf32, #tpu.memory_space<vmem>> -> memref<1x400x16xf32, #tpu.memory_space<vmem>>
        %dma_wait3A_295 = tpu.memref_squeeze %dma_wait3A_294 : memref<1x400x16xf32, #tpu.memory_space<vmem>> -> memref<400x16xf32, #tpu.memory_space<vmem>>
        tpu.wait_dma2 semaphore(%dma_wait3A_288 : memref<!tpu.dma_semaphore, #tpu.memory_space<semaphore_mem>>) src(%dma_wait3A_295 : memref<400x16xf32, #tpu.memory_space<vmem>>) dst(%dma_wait3A_291 : memref<400x16xf32, #tpu.memory_space<vmem_shared>>)
      } else {
      }
      %add3A_221 = arith.constant 2 : i32
      %add3A_222 = arith.addi %scan3A_170, %add3A_221 : i32
      %lt3A_223 = arith.constant 250 : i32
      %lt3A_224 = arith.cmpi slt, %add3A_222, %lt3A_223 : i32
      %convert_element_type3A_225 = arith.extui %lt3A_224 : i1 to i32
      %cond3A_226 = arith.constant 0 : i32
      %cond3A_227 = arith.cmpi ne, %convert_element_type3A_225, %cond3A_226 : i32
      scf.if %cond3A_227 {
        %add3A_263 = arith.constant 2 : i32
        %add3A_264 = arith.addi %scan3A_170, %add3A_263 : i32
        %mul3A_265 = arith.constant 400 : i32
        %mul3A_266 = arith.muli %add3A_264, %mul3A_265 : i32
        %add3A_267 = arith.addi %mul3A_11, %mul3A_266 : i32
        %dma_start3A_268 = arith.constant 0 : i32
        %dma_start3A_269 = arith.constant 0 : i32
        %dma_start3A_270 = tpu.memref_slice %arg6[%select_n3A_216, %dma_start3A_269] : memref<4x400xi32, #tpu.memory_space<vmem>> -> memref<1x400xi32, #tpu.memory_space<vmem>>
        %dma_start3A_271 = tpu.memref_squeeze %dma_start3A_270 : memref<1x400xi32, #tpu.memory_space<vmem>> -> memref<400xi32, #tpu.memory_space<vmem>>
        %dma_start3A_272 = tpu.memref_slice %arg2[%dma_start3A_268, %add3A_267] : memref<2x3200000xi32, #tpu.memory_space<hbm>> -> memref<1x400xi32, #tpu.memory_space<hbm>>
        %dma_start3A_273 = tpu.memref_squeeze %dma_start3A_272 : memref<1x400xi32, #tpu.memory_space<hbm>> -> memref<400xi32, #tpu.memory_space<hbm>>
        %dma_start3A_274 = tpu.memref_slice %arg12[%select_n3A_216] : memref<4x!tpu.dma_semaphore, #tpu.memory_space<semaphore_mem>> -> memref<1x!tpu.dma_semaphore, #tpu.memory_space<semaphore_mem>>
        %dma_start3A_275 = tpu.memref_squeeze %dma_start3A_274 : memref<1x!tpu.dma_semaphore, #tpu.memory_space<semaphore_mem>> -> memref<!tpu.dma_semaphore, #tpu.memory_space<semaphore_mem>>
        %dma_start3A_276 = arith.constant 0 : i32
        %dma_start3A_277 = tpu.memref_slice %arg6[%select_n3A_216, %dma_start3A_276] : memref<4x400xi32, #tpu.memory_space<vmem>> -> memref<1x400xi32, #tpu.memory_space<vmem>>
        %dma_start3A_278 = tpu.memref_squeeze %dma_start3A_277 : memref<1x400xi32, #tpu.memory_space<vmem>> -> memref<400xi32, #tpu.memory_space<vmem>>
        %dma_start3A_279 = tpu.memref_slice %arg2[%dma_start3A_268, %add3A_267] : memref<2x3200000xi32, #tpu.memory_space<hbm>> -> memref<1x400xi32, #tpu.memory_space<hbm>>
        %dma_start3A_280 = tpu.memref_squeeze %dma_start3A_279 : memref<1x400xi32, #tpu.memory_space<hbm>> -> memref<400xi32, #tpu.memory_space<hbm>>
        tpu.enqueue_dma source(%dma_start3A_280 : memref<400xi32, #tpu.memory_space<hbm>>) target(%dma_start3A_278 : memref<400xi32, #tpu.memory_space<vmem>>) target_semaphore(%dma_start3A_275 : memref<!tpu.dma_semaphore, #tpu.memory_space<semaphore_mem>>)
        %dma_start3A_281 = arith.constant 1 : i32
        %dma_start3A_282 = arith.constant 0 : i32
        %dma_start3A_283 = tpu.memref_slice %arg7[%select_n3A_216, %dma_start3A_282] : memref<4x400xi32, #tpu.memory_space<vmem>> -> memref<1x400xi32, #tpu.memory_space<vmem>>
        %dma_start3A_284 = tpu.memref_squeeze %dma_start3A_283 : memref<1x400xi32, #tpu.memory_space<vmem>> -> memref<400xi32, #tpu.memory_space<vmem>>
        %dma_start3A_285 = tpu.memref_slice %arg2[%dma_start3A_281, %add3A_267] : memref<2x3200000xi32, #tpu.memory_space<hbm>> -> memref<1x400xi32, #tpu.memory_space<hbm>>
        %dma_start3A_286 = tpu.memref_squeeze %dma_start3A_285 : memref<1x400xi32, #tpu.memory_space<hbm>> -> memref<400xi32, #tpu.memory_space<hbm>>
        %dma_start3A_287 = tpu.memref_slice %arg12[%select_n3A_216] : memref<4x!tpu.dma_semaphore, #tpu.memory_space<semaphore_mem>> -> memref<1x!tpu.dma_semaphore, #tpu.memory_space<semaphore_mem>>
        %dma_start3A_288 = tpu.memref_squeeze %dma_start3A_287 : memref<1x!tpu.dma_semaphore, #tpu.memory_space<semaphore_mem>> -> memref<!tpu.dma_semaphore, #tpu.memory_space<semaphore_mem>>
        %dma_start3A_289 = arith.constant 0 : i32
        %dma_start3A_290 = tpu.memref_slice %arg7[%select_n3A_216, %dma_start3A_289] : memref<4x400xi32, #tpu.memory_space<vmem>> -> memref<1x400xi32, #tpu.memory_space<vmem>>
        %dma_start3A_291 = tpu.memref_squeeze %dma_start3A_290 : memref<1x400xi32, #tpu.memory_space<vmem>> -> memref<400xi32, #tpu.memory_space<vmem>>
        %dma_start3A_292 = tpu.memref_slice %arg2[%dma_start3A_281, %add3A_267] : memref<2x3200000xi32, #tpu.memory_space<hbm>> -> memref<1x400xi32, #tpu.memory_space<hbm>>
        %dma_start3A_293 = tpu.memref_squeeze %dma_start3A_292 : memref<1x400xi32, #tpu.memory_space<hbm>> -> memref<400xi32, #tpu.memory_space<hbm>>
        tpu.enqueue_dma source(%dma_start3A_293 : memref<400xi32, #tpu.memory_space<hbm>>) target(%dma_start3A_291 : memref<400xi32, #tpu.memory_space<vmem>>) target_semaphore(%dma_start3A_288 : memref<!tpu.dma_semaphore, #tpu.memory_space<semaphore_mem>>)
      } else {
      }
      %add3A_228 = arith.constant 1 : i32
      %add3A_229 = arith.addi %scan3A_170, %add3A_228 : i32
      %lt3A_230 = arith.constant 250 : i32
      %lt3A_231 = arith.cmpi slt, %add3A_229, %lt3A_230 : i32
      %convert_element_type3A_232 = arith.extui %lt3A_231 : i1 to i32
      %cond3A_233 = arith.constant 0 : i32
      %cond3A_234 = arith.cmpi ne, %convert_element_type3A_232, %cond3A_233 : i32
      scf.if %cond3A_234 {
        %dma_wait3A_263 = arith.constant 0 : i32
        %dma_wait3A_264 = arith.constant 0 : i32
        %dma_wait3A_265 = tpu.memref_slice %arg6[%select_n3A_198, %dma_wait3A_264] : memref<4x400xi32, #tpu.memory_space<vmem>> -> memref<1x400xi32, #tpu.memory_space<vmem>>
        %dma_wait3A_266 = tpu.memref_squeeze %dma_wait3A_265 : memref<1x400xi32, #tpu.memory_space<vmem>> -> memref<400xi32, #tpu.memory_space<vmem>>
        %dma_wait3A_267 = arith.constant 0 : i32
        %dma_wait3A_268 = tpu.memref_slice %arg2[%dma_wait3A_263, %dma_wait3A_267] : memref<2x3200000xi32, #tpu.memory_space<hbm>> -> memref<1x400xi32, #tpu.memory_space<hbm>>
        %dma_wait3A_269 = tpu.memref_squeeze %dma_wait3A_268 : memref<1x400xi32, #tpu.memory_space<hbm>> -> memref<400xi32, #tpu.memory_space<hbm>>
        %dma_wait3A_270 = tpu.memref_slice %arg12[%select_n3A_198] : memref<4x!tpu.dma_semaphore, #tpu.memory_space<semaphore_mem>> -> memref<1x!tpu.dma_semaphore, #tpu.memory_space<semaphore_mem>>
        %dma_wait3A_271 = tpu.memref_squeeze %dma_wait3A_270 : memref<1x!tpu.dma_semaphore, #tpu.memory_space<semaphore_mem>> -> memref<!tpu.dma_semaphore, #tpu.memory_space<semaphore_mem>>
        %dma_wait3A_272 = arith.constant 0 : i32
        %dma_wait3A_273 = tpu.memref_slice %arg6[%select_n3A_198, %dma_wait3A_272] : memref<4x400xi32, #tpu.memory_space<vmem>> -> memref<1x400xi32, #tpu.memory_space<vmem>>
        %dma_wait3A_274 = tpu.memref_squeeze %dma_wait3A_273 : memref<1x400xi32, #tpu.memory_space<vmem>> -> memref<400xi32, #tpu.memory_space<vmem>>
        %dma_wait3A_275 = arith.constant 0 : i32
        %dma_wait3A_276 = tpu.memref_slice %arg2[%dma_wait3A_263, %dma_wait3A_275] : memref<2x3200000xi32, #tpu.memory_space<hbm>> -> memref<1x400xi32, #tpu.memory_space<hbm>>
        %dma_wait3A_277 = tpu.memref_squeeze %dma_wait3A_276 : memref<1x400xi32, #tpu.memory_space<hbm>> -> memref<400xi32, #tpu.memory_space<hbm>>
        tpu.wait_dma2 semaphore(%dma_wait3A_271 : memref<!tpu.dma_semaphore, #tpu.memory_space<semaphore_mem>>) src(%dma_wait3A_277 : memref<400xi32, #tpu.memory_space<hbm>>) dst(%dma_wait3A_274 : memref<400xi32, #tpu.memory_space<vmem>>)
        %dma_wait3A_278 = arith.constant 1 : i32
        %dma_wait3A_279 = arith.constant 0 : i32
        %dma_wait3A_280 = tpu.memref_slice %arg7[%select_n3A_198, %dma_wait3A_279] : memref<4x400xi32, #tpu.memory_space<vmem>> -> memref<1x400xi32, #tpu.memory_space<vmem>>
        %dma_wait3A_281 = tpu.memref_squeeze %dma_wait3A_280 : memref<1x400xi32, #tpu.memory_space<vmem>> -> memref<400xi32, #tpu.memory_space<vmem>>
        %dma_wait3A_282 = arith.constant 0 : i32
        %dma_wait3A_283 = tpu.memref_slice %arg2[%dma_wait3A_278, %dma_wait3A_282] : memref<2x3200000xi32, #tpu.memory_space<hbm>> -> memref<1x400xi32, #tpu.memory_space<hbm>>
        %dma_wait3A_284 = tpu.memref_squeeze %dma_wait3A_283 : memref<1x400xi32, #tpu.memory_space<hbm>> -> memref<400xi32, #tpu.memory_space<hbm>>
        %dma_wait3A_285 = tpu.memref_slice %arg12[%select_n3A_198] : memref<4x!tpu.dma_semaphore, #tpu.memory_space<semaphore_mem>> -> memref<1x!tpu.dma_semaphore, #tpu.memory_space<semaphore_mem>>
        %dma_wait3A_286 = tpu.memref_squeeze %dma_wait3A_285 : memref<1x!tpu.dma_semaphore, #tpu.memory_space<semaphore_mem>> -> memref<!tpu.dma_semaphore, #tpu.memory_space<semaphore_mem>>
        %dma_wait3A_287 = arith.constant 0 : i32
        %dma_wait3A_288 = tpu.memref_slice %arg7[%select_n3A_198, %dma_wait3A_287] : memref<4x400xi32, #tpu.memory_space<vmem>> -> memref<1x400xi32, #tpu.memory_space<vmem>>
        %dma_wait3A_289 = tpu.memref_squeeze %dma_wait3A_288 : memref<1x400xi32, #tpu.memory_space<vmem>> -> memref<400xi32, #tpu.memory_space<vmem>>
        %dma_wait3A_290 = arith.constant 0 : i32
        %dma_wait3A_291 = tpu.memref_slice %arg2[%dma_wait3A_278, %dma_wait3A_290] : memref<2x3200000xi32, #tpu.memory_space<hbm>> -> memref<1x400xi32, #tpu.memory_space<hbm>>
        %dma_wait3A_292 = tpu.memref_squeeze %dma_wait3A_291 : memref<1x400xi32, #tpu.memory_space<hbm>> -> memref<400xi32, #tpu.memory_space<hbm>>
        tpu.wait_dma2 semaphore(%dma_wait3A_286 : memref<!tpu.dma_semaphore, #tpu.memory_space<semaphore_mem>>) src(%dma_wait3A_292 : memref<400xi32, #tpu.memory_space<hbm>>) dst(%dma_wait3A_289 : memref<400xi32, #tpu.memory_space<vmem>>)
        %dma_start3A_293 = arith.constant 0 : i32
        %dma_start3A_294 = arith.constant 0 : i32
        %dma_start3A_295 = tpu.memref_slice %arg8[%select_n3A_198, %dma_start3A_293, %dma_start3A_294] : memref<4x400x16xf32, #tpu.memory_space<vmem>> -> memref<1x400x16xf32, #tpu.memory_space<vmem>>
        %dma_start3A_296 = tpu.memref_squeeze %dma_start3A_295 : memref<1x400x16xf32, #tpu.memory_space<vmem>> -> memref<400x16xf32, #tpu.memory_space<vmem>>
        %dma_start3A_297 = arith.constant 0 : i32
        %dma_start3A_298 = tpu.memref_slice %arg6[%select_n3A_198, %dma_start3A_297] : memref<4x400xi32, #tpu.memory_space<vmem>> -> memref<1x400xi32, #tpu.memory_space<vmem>>
        %dma_start3A_299 = tpu.memref_squeeze %dma_start3A_298 : memref<1x400xi32, #tpu.memory_space<vmem>> -> memref<400xi32, #tpu.memory_space<vmem>>
        %dma_start3A_300 = arith.constant 0 : i32
        %dma_start3A_301 = arith.constant 0 : i32
        %dma_start3A_302 = tpu.memref_slice %arg3[%dma_start3A_300, %dma_start3A_301] : memref<100000x16xf32, #tpu.memory_space<hbm>> -> memref<100000x16xf32, #tpu.memory_space<hbm>>
        %dma_start3A_303 = tpu.memref_slice %arg10[%select_n3A_198] : memref<4x!tpu.dma_semaphore, #tpu.memory_space<semaphore_mem>> -> memref<1x!tpu.dma_semaphore, #tpu.memory_space<semaphore_mem>>
        %dma_start3A_304 = tpu.memref_squeeze %dma_start3A_303 : memref<1x!tpu.dma_semaphore, #tpu.memory_space<semaphore_mem>> -> memref<!tpu.dma_semaphore, #tpu.memory_space<semaphore_mem>>
        tpu.enqueue_indirect_dma source(%dma_start3A_302 : memref<100000x16xf32, #tpu.memory_space<hbm>>) target(%dma_start3A_296 : memref<400x16xf32, #tpu.memory_space<vmem>>) offsets(%dma_start3A_299 : memref<400xi32, #tpu.memory_space<vmem>>) semaphore(%dma_start3A_304 : memref<!tpu.dma_semaphore, #tpu.memory_space<semaphore_mem>>)
      } else {
      }
      %dma_wait3A_235 = arith.constant 0 : i32
      %dma_wait3A_236 = arith.constant 0 : i32
      %dma_wait3A_237 = tpu.memref_slice %arg8[%select_n3A_180, %dma_wait3A_235, %dma_wait3A_236] : memref<4x400x16xf32, #tpu.memory_space<vmem>> -> memref<1x400x16xf32, #tpu.memory_space<vmem>>
      %dma_wait3A_238 = tpu.memref_squeeze %dma_wait3A_237 : memref<1x400x16xf32, #tpu.memory_space<vmem>> -> memref<400x16xf32, #tpu.memory_space<vmem>>
      %dma_wait3A_239 = arith.constant 0 : i32
      %dma_wait3A_240 = arith.constant 0 : i32
      %dma_wait3A_241 = tpu.memref_slice %arg3[%dma_wait3A_239, %dma_wait3A_240] : memref<100000x16xf32, #tpu.memory_space<hbm>> -> memref<400x16xf32, #tpu.memory_space<hbm>>
      %dma_wait3A_242 = tpu.memref_slice %arg10[%select_n3A_180] : memref<4x!tpu.dma_semaphore, #tpu.memory_space<semaphore_mem>> -> memref<1x!tpu.dma_semaphore, #tpu.memory_space<semaphore_mem>>
      %dma_wait3A_243 = tpu.memref_squeeze %dma_wait3A_242 : memref<1x!tpu.dma_semaphore, #tpu.memory_space<semaphore_mem>> -> memref<!tpu.dma_semaphore, #tpu.memory_space<semaphore_mem>>
      %dma_wait3A_244 = arith.constant 0 : i32
      %dma_wait3A_245 = arith.constant 0 : i32
      %dma_wait3A_246 = tpu.memref_slice %arg8[%select_n3A_180, %dma_wait3A_244, %dma_wait3A_245] : memref<4x400x16xf32, #tpu.memory_space<vmem>> -> memref<1x400x16xf32, #tpu.memory_space<vmem>>
      %dma_wait3A_247 = tpu.memref_squeeze %dma_wait3A_246 : memref<1x400x16xf32, #tpu.memory_space<vmem>> -> memref<400x16xf32, #tpu.memory_space<vmem>>
      %dma_wait3A_248 = arith.constant 0 : i32
      %dma_wait3A_249 = arith.constant 0 : i32
      %dma_wait3A_250 = tpu.memref_slice %arg3[%dma_wait3A_248, %dma_wait3A_249] : memref<100000x16xf32, #tpu.memory_space<hbm>> -> memref<400x16xf32, #tpu.memory_space<hbm>>
      tpu.wait_dma2 semaphore(%dma_wait3A_243 : memref<!tpu.dma_semaphore, #tpu.memory_space<semaphore_mem>>) src(%dma_wait3A_250 : memref<400x16xf32, #tpu.memory_space<hbm>>) dst(%dma_wait3A_247 : memref<400x16xf32, #tpu.memory_space<vmem>>)
      %dma_start3A_251 = arith.constant 0 : i32
      %dma_start3A_252 = arith.constant 0 : i32
      %dma_start3A_253 = tpu.memref_slice %arg8[%select_n3A_180, %dma_start3A_251, %dma_start3A_252] : memref<4x400x16xf32, #tpu.memory_space<vmem>> -> memref<1x400x16xf32, #tpu.memory_space<vmem>>
      %dma_start3A_254 = tpu.memref_squeeze %dma_start3A_253 : memref<1x400x16xf32, #tpu.memory_space<vmem>> -> memref<400x16xf32, #tpu.memory_space<vmem>>
      %dma_start3A_255 = arith.constant 0 : i32
      %dma_start3A_256 = tpu.memref_slice %arg7[%select_n3A_180, %dma_start3A_255] : memref<4x400xi32, #tpu.memory_space<vmem>> -> memref<1x400xi32, #tpu.memory_space<vmem>>
      %dma_start3A_257 = tpu.memref_squeeze %dma_start3A_256 : memref<1x400xi32, #tpu.memory_space<vmem>> -> memref<400xi32, #tpu.memory_space<vmem>>
      %dma_start3A_258 = arith.constant 0 : i32
      %dma_start3A_259 = arith.constant 0 : i32
      %dma_start3A_260 = tpu.memref_slice %arg9[%dma_start3A_258, %dma_start3A_259] : memref<100000x16xf32, #tpu.memory_space<vmem_shared>> -> memref<100000x16xf32, #tpu.memory_space<vmem_shared>>
      %dma_start3A_261 = tpu.memref_slice %arg11[%select_n3A_180] : memref<4x!tpu.dma_semaphore, #tpu.memory_space<semaphore_mem>> -> memref<1x!tpu.dma_semaphore, #tpu.memory_space<semaphore_mem>>
      %dma_start3A_262 = tpu.memref_squeeze %dma_start3A_261 : memref<1x!tpu.dma_semaphore, #tpu.memory_space<semaphore_mem>> -> memref<!tpu.dma_semaphore, #tpu.memory_space<semaphore_mem>>
      tpu.enqueue_indirect_dma source(%dma_start3A_254 : memref<400x16xf32, #tpu.memory_space<vmem>>) target(%dma_start3A_260 : memref<100000x16xf32, #tpu.memory_space<vmem_shared>>) offsets(%dma_start3A_257 : memref<400xi32, #tpu.memory_space<vmem>>) semaphore(%dma_start3A_262 : memref<!tpu.dma_semaphore, #tpu.memory_space<semaphore_mem>>) {add = true}
    }
    %scan3A_127 = arith.constant 250 : i32
    %dma_wait3A_128 = arith.constant 0 : i32
    %dma_wait3A_129 = arith.constant 0 : i32
    %dma_wait3A_130 = arith.constant 0 : i32
    %dma_wait3A_131 = arith.constant 0 : i32
    %dma_wait3A_132 = tpu.memref_slice %arg8[%dma_wait3A_128, %dma_wait3A_130, %dma_wait3A_131] : memref<4x400x16xf32, #tpu.memory_space<vmem>> -> memref<1x400x16xf32, #tpu.memory_space<vmem>>
    %dma_wait3A_133 = tpu.memref_squeeze %dma_wait3A_132 : memref<1x400x16xf32, #tpu.memory_space<vmem>> -> memref<400x16xf32, #tpu.memory_space<vmem>>
    %dma_wait3A_134 = arith.constant 0 : i32
    %dma_wait3A_135 = arith.constant 0 : i32
    %dma_wait3A_136 = tpu.memref_slice %arg9[%dma_wait3A_134, %dma_wait3A_135] : memref<100000x16xf32, #tpu.memory_space<vmem_shared>> -> memref<400x16xf32, #tpu.memory_space<vmem_shared>>
    %dma_wait3A_137 = tpu.memref_slice %arg11[%dma_wait3A_129] : memref<4x!tpu.dma_semaphore, #tpu.memory_space<semaphore_mem>> -> memref<1x!tpu.dma_semaphore, #tpu.memory_space<semaphore_mem>>
    %dma_wait3A_138 = tpu.memref_squeeze %dma_wait3A_137 : memref<1x!tpu.dma_semaphore, #tpu.memory_space<semaphore_mem>> -> memref<!tpu.dma_semaphore, #tpu.memory_space<semaphore_mem>>
    %dma_wait3A_139 = arith.constant 0 : i32
    %dma_wait3A_140 = arith.constant 0 : i32
    %dma_wait3A_141 = tpu.memref_slice %arg9[%dma_wait3A_139, %dma_wait3A_140] : memref<100000x16xf32, #tpu.memory_space<vmem_shared>> -> memref<400x16xf32, #tpu.memory_space<vmem_shared>>
    %dma_wait3A_142 = arith.constant 0 : i32
    %dma_wait3A_143 = arith.constant 0 : i32
    %dma_wait3A_144 = tpu.memref_slice %arg8[%dma_wait3A_128, %dma_wait3A_142, %dma_wait3A_143] : memref<4x400x16xf32, #tpu.memory_space<vmem>> -> memref<1x400x16xf32, #tpu.memory_space<vmem>>
    %dma_wait3A_145 = tpu.memref_squeeze %dma_wait3A_144 : memref<1x400x16xf32, #tpu.memory_space<vmem>> -> memref<400x16xf32, #tpu.memory_space<vmem>>
    tpu.wait_dma2 semaphore(%dma_wait3A_138 : memref<!tpu.dma_semaphore, #tpu.memory_space<semaphore_mem>>) src(%dma_wait3A_145 : memref<400x16xf32, #tpu.memory_space<vmem>>) dst(%dma_wait3A_141 : memref<400x16xf32, #tpu.memory_space<vmem_shared>>)
    %dma_wait3A_146 = arith.constant 1 : i32
    %dma_wait3A_147 = arith.constant 1 : i32
    %dma_wait3A_148 = arith.constant 0 : i32
    %dma_wait3A_149 = arith.constant 0 : i32
    %dma_wait3A_150 = tpu.memref_slice %arg8[%dma_wait3A_146, %dma_wait3A_148, %dma_wait3A_149] : memref<4x400x16xf32, #tpu.memory_space<vmem>> -> memref<1x400x16xf32, #tpu.memory_space<vmem>>
    %dma_wait3A_151 = tpu.memref_squeeze %dma_wait3A_150 : memref<1x400x16xf32, #tpu.memory_space<vmem>> -> memref<400x16xf32, #tpu.memory_space<vmem>>
    %dma_wait3A_152 = arith.constant 0 : i32
    %dma_wait3A_153 = arith.constant 0 : i32
    %dma_wait3A_154 = tpu.memref_slice %arg9[%dma_wait3A_152, %dma_wait3A_153] : memref<100000x16xf32, #tpu.memory_space<vmem_shared>> -> memref<400x16xf32, #tpu.memory_space<vmem_shared>>
    %dma_wait3A_155 = tpu.memref_slice %arg11[%dma_wait3A_147] : memref<4x!tpu.dma_semaphore, #tpu.memory_space<semaphore_mem>> -> memref<1x!tpu.dma_semaphore, #tpu.memory_space<semaphore_mem>>
    %dma_wait3A_156 = tpu.memref_squeeze %dma_wait3A_155 : memref<1x!tpu.dma_semaphore, #tpu.memory_space<semaphore_mem>> -> memref<!tpu.dma_semaphore, #tpu.memory_space<semaphore_mem>>
    %dma_wait3A_157 = arith.constant 0 : i32
    %dma_wait3A_158 = arith.constant 0 : i32
    %dma_wait3A_159 = tpu.memref_slice %arg9[%dma_wait3A_157, %dma_wait3A_158] : memref<100000x16xf32, #tpu.memory_space<vmem_shared>> -> memref<400x16xf32, #tpu.memory_space<vmem_shared>>
    %dma_wait3A_160 = arith.constant 0 : i32
    %dma_wait3A_161 = arith.constant 0 : i32
    %dma_wait3A_162 = tpu.memref_slice %arg8[%dma_wait3A_146, %dma_wait3A_160, %dma_wait3A_161] : memref<4x400x16xf32, #tpu.memory_space<vmem>> -> memref<1x400x16xf32, #tpu.memory_space<vmem>>
    %dma_wait3A_163 = tpu.memref_squeeze %dma_wait3A_162 : memref<1x400x16xf32, #tpu.memory_space<vmem>> -> memref<400x16xf32, #tpu.memory_space<vmem>>
    tpu.wait_dma2 semaphore(%dma_wait3A_156 : memref<!tpu.dma_semaphore, #tpu.memory_space<semaphore_mem>>) src(%dma_wait3A_163 : memref<400x16xf32, #tpu.memory_space<vmem>>) dst(%dma_wait3A_159 : memref<400x16xf32, #tpu.memory_space<vmem_shared>>)
    %barrier3A_164 = arith.constant 0 : index
    tpu.barrier barrier_id(%barrier3A_164)
    "tpu.region"() ({
      %run_scoped3A = tpu.sem_alloc : memref<!tpu.dma_semaphore, #tpu.memory_space<semaphore_mem>>
      %dma_start3A_170 = arith.constant 0 : i32
      %dma_start3A_171 = tpu.memref_slice %arg5[%arg0, %mul3A_0, %dma_start3A_170] : memref<2x100000x16xf32, #tpu.memory_space<hbm>> -> memref<1x6248x16xf32, #tpu.memory_space<hbm>>
      %dma_start3A_172 = tpu.memref_squeeze %dma_start3A_171 : memref<1x6248x16xf32, #tpu.memory_space<hbm>> -> memref<6248x16xf32, #tpu.memory_space<hbm>>
      %dma_start3A_173 = arith.constant 0 : i32
      %dma_start3A_174 = tpu.memref_slice %arg9[%mul3A_0, %dma_start3A_173] : memref<100000x16xf32, #tpu.memory_space<vmem_shared>> -> memref<6248x16xf32, #tpu.memory_space<vmem_shared>>
      tpu.enqueue_dma source(%dma_start3A_174 : memref<6248x16xf32, #tpu.memory_space<vmem_shared>>) target(%dma_start3A_172 : memref<6248x16xf32, #tpu.memory_space<hbm>>) target_semaphore(%run_scoped3A : memref<!tpu.dma_semaphore, #tpu.memory_space<semaphore_mem>>)
      %dma_wait3A_175 = arith.constant 0 : i32
      %dma_wait3A_176 = tpu.memref_slice %arg5[%arg0, %mul3A_0, %dma_wait3A_175] : memref<2x100000x16xf32, #tpu.memory_space<hbm>> -> memref<1x6248x16xf32, #tpu.memory_space<hbm>>
      %dma_wait3A_177 = tpu.memref_squeeze %dma_wait3A_176 : memref<1x6248x16xf32, #tpu.memory_space<hbm>> -> memref<6248x16xf32, #tpu.memory_space<hbm>>
      %dma_wait3A_178 = arith.constant 0 : i32
      %dma_wait3A_179 = tpu.memref_slice %arg9[%mul3A_0, %dma_wait3A_178] : memref<100000x16xf32, #tpu.memory_space<vmem_shared>> -> memref<6248x16xf32, #tpu.memory_space<vmem_shared>>
      tpu.wait_dma2 semaphore(%run_scoped3A : memref<!tpu.dma_semaphore, #tpu.memory_space<semaphore_mem>>) src(%dma_wait3A_179 : memref<6248x16xf32, #tpu.memory_space<vmem_shared>>) dst(%dma_wait3A_177 : memref<6248x16xf32, #tpu.memory_space<hbm>>)
      tpu.yield
    }) : () -> ()
    %eq3A_165 = arith.constant 15 : i32
    %eq3A_166 = arith.cmpi eq, %arg1, %eq3A_165 : i32
    %convert_element_type3A_167 = arith.extui %eq3A_166 : i1 to i32
    %cond3A_168 = arith.constant 0 : i32
    %cond3A_169 = arith.cmpi ne, %convert_element_type3A_167, %cond3A_168 : i32
    scf.if %cond3A_169 {
      "tpu.region"() ({
        %run_scoped3A = tpu.sem_alloc : memref<!tpu.dma_semaphore, #tpu.memory_space<semaphore_mem>>
        %dma_start3A_170 = arith.constant 99968 : i32
        %dma_start3A_171 = arith.constant 0 : i32
        %dma_start3A_172 = tpu.memref_slice %arg5[%arg0, %dma_start3A_170, %dma_start3A_171] : memref<2x100000x16xf32, #tpu.memory_space<hbm>> -> memref<1x32x16xf32, #tpu.memory_space<hbm>>
        %dma_start3A_173 = tpu.memref_squeeze %dma_start3A_172 : memref<1x32x16xf32, #tpu.memory_space<hbm>> -> memref<32x16xf32, #tpu.memory_space<hbm>>
        %dma_start3A_174 = arith.constant 99968 : i32
        %dma_start3A_175 = arith.constant 0 : i32
        %dma_start3A_176 = tpu.memref_slice %arg9[%dma_start3A_174, %dma_start3A_175] : memref<100000x16xf32, #tpu.memory_space<vmem_shared>> -> memref<32x16xf32, #tpu.memory_space<vmem_shared>>
        tpu.enqueue_dma source(%dma_start3A_176 : memref<32x16xf32, #tpu.memory_space<vmem_shared>>) target(%dma_start3A_173 : memref<32x16xf32, #tpu.memory_space<hbm>>) target_semaphore(%run_scoped3A : memref<!tpu.dma_semaphore, #tpu.memory_space<semaphore_mem>>)
        %dma_wait3A_177 = arith.constant 99968 : i32
        %dma_wait3A_178 = arith.constant 0 : i32
        %dma_wait3A_179 = tpu.memref_slice %arg5[%arg0, %dma_wait3A_177, %dma_wait3A_178] : memref<2x100000x16xf32, #tpu.memory_space<hbm>> -> memref<1x32x16xf32, #tpu.memory_space<hbm>>
        %dma_wait3A_180 = tpu.memref_squeeze %dma_wait3A_179 : memref<1x32x16xf32, #tpu.memory_space<hbm>> -> memref<32x16xf32, #tpu.memory_space<hbm>>
        %dma_wait3A_181 = arith.constant 99968 : i32
        %dma_wait3A_182 = arith.constant 0 : i32
        %dma_wait3A_183 = tpu.memref_slice %arg9[%dma_wait3A_181, %dma_wait3A_182] : memref<100000x16xf32, #tpu.memory_space<vmem_shared>> -> memref<32x16xf32, #tpu.memory_space<vmem_shared>>
        tpu.wait_dma2 semaphore(%run_scoped3A : memref<!tpu.dma_semaphore, #tpu.memory_space<semaphore_mem>>) src(%dma_wait3A_183 : memref<32x16xf32, #tpu.memory_space<vmem_shared>>) dst(%dma_wait3A_180 : memref<32x16xf32, #tpu.memory_space<hbm>>)
        tpu.yield
      }) : () -> ()
    } else {
    }
    return
  }
}

#map = affine_map<(d0, d1) -> (0, 0)>
#map1 = affine_map<(d0, d1) -> (0, 0, 0)>
module attributes {stable_mosaic.version = 14 : i64} {
  func.func @sc_agg(%arg0: i32, %arg1: i32, %arg2: memref<2x3200000xi32, #tpu.memory_space<hbm>>, %arg3: memref<100000x8xf32, #tpu.memory_space<hbm>>, %arg4: memref<6280x8xf32, #tpu.memory_space<hbm>>, %arg5: memref<2x100000x8xf32, #tpu.memory_space<hbm>>, %arg6: memref<6x1000xi32, #tpu.memory_space<vmem>>, %arg7: memref<6x1000xi32, #tpu.memory_space<vmem>>, %arg8: memref<6x1000x8xf32, #tpu.memory_space<vmem>>, %arg9: memref<100000x8xf32, #tpu.memory_space<vmem_shared>>, %arg10: memref<6x!tpu.dma_semaphore, #tpu.memory_space<semaphore_mem>>, %arg11: memref<6x!tpu.dma_semaphore, #tpu.memory_space<semaphore_mem>>, %arg12: memref<6x!tpu.dma_semaphore, #tpu.memory_space<semaphore_mem>>) attributes {dimension_semantics = [#tpu.dimension_semantics<core_parallel>, #tpu.dimension_semantics<subcore_parallel>], iteration_bounds = array<i64: 2, 16>, scalar_prefetch = 0 : i64, scratch_operands = 7 : i64, tpu.core_type = #tpu.core_type<sc_vector_subcore>, window_params = [{transform_indices = #map}, {transform_indices = #map}, {transform_indices = #map}, {transform_indices = #map1}]} {
    %mul3A = arith.constant 6248 : i32
    %mul3A_0 = arith.muli %arg1, %mul3A : i32
    %eq3A = arith.constant 0 : i32
    %eq3A_1 = arith.cmpi eq, %arg0, %eq3A : i32
    %convert_element_type3A = arith.extui %eq3A_1 : i1 to i32
    %cond3A = arith.constant 0 : i32
    %cond3A_2 = arith.cmpi ne, %convert_element_type3A, %cond3A : i32
    scf.if %cond3A_2 {
      "tpu.region"() ({
        %run_scoped3A = tpu.sem_alloc : memref<!tpu.dma_semaphore, #tpu.memory_space<semaphore_mem>>
        %dma_start3A_211 = arith.constant 0 : i32
        %dma_start3A_212 = tpu.memref_slice %arg9[%mul3A_0, %dma_start3A_211] : memref<100000x8xf32, #tpu.memory_space<vmem_shared>> -> memref<6248x8xf32, #tpu.memory_space<vmem_shared>>
        %dma_start3A_213 = arith.constant 0 : i32
        %dma_start3A_214 = tpu.memref_slice %arg3[%mul3A_0, %dma_start3A_213] : memref<100000x8xf32, #tpu.memory_space<hbm>> -> memref<6248x8xf32, #tpu.memory_space<hbm>>
        tpu.enqueue_dma source(%dma_start3A_214 : memref<6248x8xf32, #tpu.memory_space<hbm>>) target(%dma_start3A_212 : memref<6248x8xf32, #tpu.memory_space<vmem_shared>>) target_semaphore(%run_scoped3A : memref<!tpu.dma_semaphore, #tpu.memory_space<semaphore_mem>>)
        %dma_wait3A_215 = arith.constant 0 : i32
        %dma_wait3A_216 = tpu.memref_slice %arg9[%mul3A_0, %dma_wait3A_215] : memref<100000x8xf32, #tpu.memory_space<vmem_shared>> -> memref<6248x8xf32, #tpu.memory_space<vmem_shared>>
        %dma_wait3A_217 = arith.constant 0 : i32
        %dma_wait3A_218 = tpu.memref_slice %arg3[%mul3A_0, %dma_wait3A_217] : memref<100000x8xf32, #tpu.memory_space<hbm>> -> memref<6248x8xf32, #tpu.memory_space<hbm>>
        tpu.wait_dma2 semaphore(%run_scoped3A : memref<!tpu.dma_semaphore, #tpu.memory_space<semaphore_mem>>) src(%dma_wait3A_218 : memref<6248x8xf32, #tpu.memory_space<hbm>>) dst(%dma_wait3A_216 : memref<6248x8xf32, #tpu.memory_space<vmem_shared>>)
        tpu.yield
      }) : () -> ()
      %eq3A_206 = arith.constant 15 : i32
      %eq3A_207 = arith.cmpi eq, %arg1, %eq3A_206 : i32
      %convert_element_type3A_208 = arith.extui %eq3A_207 : i1 to i32
      %cond3A_209 = arith.constant 0 : i32
      %cond3A_210 = arith.cmpi ne, %convert_element_type3A_208, %cond3A_209 : i32
      scf.if %cond3A_210 {
        "tpu.region"() ({
          %run_scoped3A = tpu.sem_alloc : memref<!tpu.dma_semaphore, #tpu.memory_space<semaphore_mem>>
          %dma_start3A_211 = arith.constant 99968 : i32
          %dma_start3A_212 = arith.constant 0 : i32
          %dma_start3A_213 = tpu.memref_slice %arg9[%dma_start3A_211, %dma_start3A_212] : memref<100000x8xf32, #tpu.memory_space<vmem_shared>> -> memref<32x8xf32, #tpu.memory_space<vmem_shared>>
          %dma_start3A_214 = arith.constant 99968 : i32
          %dma_start3A_215 = arith.constant 0 : i32
          %dma_start3A_216 = tpu.memref_slice %arg3[%dma_start3A_214, %dma_start3A_215] : memref<100000x8xf32, #tpu.memory_space<hbm>> -> memref<32x8xf32, #tpu.memory_space<hbm>>
          tpu.enqueue_dma source(%dma_start3A_216 : memref<32x8xf32, #tpu.memory_space<hbm>>) target(%dma_start3A_213 : memref<32x8xf32, #tpu.memory_space<vmem_shared>>) target_semaphore(%run_scoped3A : memref<!tpu.dma_semaphore, #tpu.memory_space<semaphore_mem>>)
          %dma_wait3A_217 = arith.constant 99968 : i32
          %dma_wait3A_218 = arith.constant 0 : i32
          %dma_wait3A_219 = tpu.memref_slice %arg9[%dma_wait3A_217, %dma_wait3A_218] : memref<100000x8xf32, #tpu.memory_space<vmem_shared>> -> memref<32x8xf32, #tpu.memory_space<vmem_shared>>
          %dma_wait3A_220 = arith.constant 99968 : i32
          %dma_wait3A_221 = arith.constant 0 : i32
          %dma_wait3A_222 = tpu.memref_slice %arg3[%dma_wait3A_220, %dma_wait3A_221] : memref<100000x8xf32, #tpu.memory_space<hbm>> -> memref<32x8xf32, #tpu.memory_space<hbm>>
          tpu.wait_dma2 semaphore(%run_scoped3A : memref<!tpu.dma_semaphore, #tpu.memory_space<semaphore_mem>>) src(%dma_wait3A_222 : memref<32x8xf32, #tpu.memory_space<hbm>>) dst(%dma_wait3A_219 : memref<32x8xf32, #tpu.memory_space<vmem_shared>>)
          tpu.yield
        }) : () -> ()
      } else {
      }
    } else {
    }
    %eq3A_3 = arith.constant 1 : i32
    %eq3A_4 = arith.cmpi eq, %arg0, %eq3A_3 : i32
    %convert_element_type3A_5 = arith.extui %eq3A_4 : i1 to i32
    %cond3A_6 = arith.constant 0 : i32
    %cond3A_7 = arith.cmpi ne, %convert_element_type3A_5, %cond3A_6 : i32
    scf.if %cond3A_7 {
      "tpu.region"() ({
        %run_scoped3A = tpu.sem_alloc : memref<!tpu.dma_semaphore, #tpu.memory_space<semaphore_mem>>
        %dma_start3A_211 = arith.constant 0 : i32
        %dma_start3A_212 = tpu.memref_slice %arg9[%mul3A_0, %dma_start3A_211] : memref<100000x8xf32, #tpu.memory_space<vmem_shared>> -> memref<6248x8xf32, #tpu.memory_space<vmem_shared>>
        %dma_start3A_213 = arith.constant 0 : i32
        %dma_start3A_214 = arith.constant 0 : i32
        %dma_start3A_215 = tpu.memref_slice %arg4[%dma_start3A_213, %dma_start3A_214] : memref<6280x8xf32, #tpu.memory_space<hbm>> -> memref<6248x8xf32, #tpu.memory_space<hbm>>
        tpu.enqueue_dma source(%dma_start3A_215 : memref<6248x8xf32, #tpu.memory_space<hbm>>) target(%dma_start3A_212 : memref<6248x8xf32, #tpu.memory_space<vmem_shared>>) target_semaphore(%run_scoped3A : memref<!tpu.dma_semaphore, #tpu.memory_space<semaphore_mem>>)
        %dma_wait3A_216 = arith.constant 0 : i32
        %dma_wait3A_217 = tpu.memref_slice %arg9[%mul3A_0, %dma_wait3A_216] : memref<100000x8xf32, #tpu.memory_space<vmem_shared>> -> memref<6248x8xf32, #tpu.memory_space<vmem_shared>>
        %dma_wait3A_218 = arith.constant 0 : i32
        %dma_wait3A_219 = arith.constant 0 : i32
        %dma_wait3A_220 = tpu.memref_slice %arg4[%dma_wait3A_218, %dma_wait3A_219] : memref<6280x8xf32, #tpu.memory_space<hbm>> -> memref<6248x8xf32, #tpu.memory_space<hbm>>
        tpu.wait_dma2 semaphore(%run_scoped3A : memref<!tpu.dma_semaphore, #tpu.memory_space<semaphore_mem>>) src(%dma_wait3A_220 : memref<6248x8xf32, #tpu.memory_space<hbm>>) dst(%dma_wait3A_217 : memref<6248x8xf32, #tpu.memory_space<vmem_shared>>)
        tpu.yield
      }) : () -> ()
      %eq3A_206 = arith.constant 15 : i32
      %eq3A_207 = arith.cmpi eq, %arg1, %eq3A_206 : i32
      %convert_element_type3A_208 = arith.extui %eq3A_207 : i1 to i32
      %cond3A_209 = arith.constant 0 : i32
      %cond3A_210 = arith.cmpi ne, %convert_element_type3A_208, %cond3A_209 : i32
      scf.if %cond3A_210 {
        "tpu.region"() ({
          %run_scoped3A = tpu.sem_alloc : memref<!tpu.dma_semaphore, #tpu.memory_space<semaphore_mem>>
          %dma_start3A_211 = arith.constant 99968 : i32
          %dma_start3A_212 = arith.constant 0 : i32
          %dma_start3A_213 = tpu.memref_slice %arg9[%dma_start3A_211, %dma_start3A_212] : memref<100000x8xf32, #tpu.memory_space<vmem_shared>> -> memref<32x8xf32, #tpu.memory_space<vmem_shared>>
          %dma_start3A_214 = arith.constant 0 : i32
          %dma_start3A_215 = arith.constant 0 : i32
          %dma_start3A_216 = tpu.memref_slice %arg4[%dma_start3A_214, %dma_start3A_215] : memref<6280x8xf32, #tpu.memory_space<hbm>> -> memref<32x8xf32, #tpu.memory_space<hbm>>
          tpu.enqueue_dma source(%dma_start3A_216 : memref<32x8xf32, #tpu.memory_space<hbm>>) target(%dma_start3A_213 : memref<32x8xf32, #tpu.memory_space<vmem_shared>>) target_semaphore(%run_scoped3A : memref<!tpu.dma_semaphore, #tpu.memory_space<semaphore_mem>>)
          %dma_wait3A_217 = arith.constant 99968 : i32
          %dma_wait3A_218 = arith.constant 0 : i32
          %dma_wait3A_219 = tpu.memref_slice %arg9[%dma_wait3A_217, %dma_wait3A_218] : memref<100000x8xf32, #tpu.memory_space<vmem_shared>> -> memref<32x8xf32, #tpu.memory_space<vmem_shared>>
          %dma_wait3A_220 = arith.constant 0 : i32
          %dma_wait3A_221 = arith.constant 0 : i32
          %dma_wait3A_222 = tpu.memref_slice %arg4[%dma_wait3A_220, %dma_wait3A_221] : memref<6280x8xf32, #tpu.memory_space<hbm>> -> memref<32x8xf32, #tpu.memory_space<hbm>>
          tpu.wait_dma2 semaphore(%run_scoped3A : memref<!tpu.dma_semaphore, #tpu.memory_space<semaphore_mem>>) src(%dma_wait3A_222 : memref<32x8xf32, #tpu.memory_space<hbm>>) dst(%dma_wait3A_219 : memref<32x8xf32, #tpu.memory_space<vmem_shared>>)
          tpu.yield
        }) : () -> ()
      } else {
      }
    } else {
    }
    %barrier3A = arith.constant 0 : index
    tpu.barrier barrier_id(%barrier3A)
    %mul3A_8 = arith.constant 16 : i32
    %mul3A_9 = arith.muli %arg0, %mul3A_8 : i32
    %add3A = arith.addi %mul3A_9, %arg1 : i32
    %mul3A_10 = arith.constant 100000 : i32
    %mul3A_11 = arith.muli %add3A, %mul3A_10 : i32
    %add3A_12 = arith.constant 0 : i32
    %add3A_13 = arith.addi %mul3A_11, %add3A_12 : i32
    %dma_start3A = arith.constant 0 : i32
    %dma_start3A_14 = arith.constant 0 : i32
    %dma_start3A_15 = arith.constant 0 : i32
    %dma_start3A_16 = arith.constant 0 : i32
    %dma_start3A_17 = tpu.memref_slice %arg6[%dma_start3A_14, %dma_start3A_16] : memref<6x1000xi32, #tpu.memory_space<vmem>> -> memref<1x1000xi32, #tpu.memory_space<vmem>>
    %dma_start3A_18 = tpu.memref_squeeze %dma_start3A_17 : memref<1x1000xi32, #tpu.memory_space<vmem>> -> memref<1000xi32, #tpu.memory_space<vmem>>
    %dma_start3A_19 = tpu.memref_slice %arg2[%dma_start3A, %add3A_13] : memref<2x3200000xi32, #tpu.memory_space<hbm>> -> memref<1x1000xi32, #tpu.memory_space<hbm>>
    %dma_start3A_20 = tpu.memref_squeeze %dma_start3A_19 : memref<1x1000xi32, #tpu.memory_space<hbm>> -> memref<1000xi32, #tpu.memory_space<hbm>>
    %dma_start3A_21 = tpu.memref_slice %arg12[%dma_start3A_15] : memref<6x!tpu.dma_semaphore, #tpu.memory_space<semaphore_mem>> -> memref<1x!tpu.dma_semaphore, #tpu.memory_space<semaphore_mem>>
    %dma_start3A_22 = tpu.memref_squeeze %dma_start3A_21 : memref<1x!tpu.dma_semaphore, #tpu.memory_space<semaphore_mem>> -> memref<!tpu.dma_semaphore, #tpu.memory_space<semaphore_mem>>
    %dma_start3A_23 = arith.constant 0 : i32
    %dma_start3A_24 = tpu.memref_slice %arg6[%dma_start3A_14, %dma_start3A_23] : memref<6x1000xi32, #tpu.memory_space<vmem>> -> memref<1x1000xi32, #tpu.memory_space<vmem>>
    %dma_start3A_25 = tpu.memref_squeeze %dma_start3A_24 : memref<1x1000xi32, #tpu.memory_space<vmem>> -> memref<1000xi32, #tpu.memory_space<vmem>>
    %dma_start3A_26 = tpu.memref_slice %arg2[%dma_start3A, %add3A_13] : memref<2x3200000xi32, #tpu.memory_space<hbm>> -> memref<1x1000xi32, #tpu.memory_space<hbm>>
    %dma_start3A_27 = tpu.memref_squeeze %dma_start3A_26 : memref<1x1000xi32, #tpu.memory_space<hbm>> -> memref<1000xi32, #tpu.memory_space<hbm>>
    tpu.enqueue_dma source(%dma_start3A_27 : memref<1000xi32, #tpu.memory_space<hbm>>) target(%dma_start3A_25 : memref<1000xi32, #tpu.memory_space<vmem>>) target_semaphore(%dma_start3A_22 : memref<!tpu.dma_semaphore, #tpu.memory_space<semaphore_mem>>)
    %dma_start3A_28 = arith.constant 1 : i32
    %dma_start3A_29 = arith.constant 0 : i32
    %dma_start3A_30 = arith.constant 0 : i32
    %dma_start3A_31 = arith.constant 0 : i32
    %dma_start3A_32 = tpu.memref_slice %arg7[%dma_start3A_29, %dma_start3A_31] : memref<6x1000xi32, #tpu.memory_space<vmem>> -> memref<1x1000xi32, #tpu.memory_space<vmem>>
    %dma_start3A_33 = tpu.memref_squeeze %dma_start3A_32 : memref<1x1000xi32, #tpu.memory_space<vmem>> -> memref<1000xi32, #tpu.memory_space<vmem>>
    %dma_start3A_34 = tpu.memref_slice %arg2[%dma_start3A_28, %add3A_13] : memref<2x3200000xi32, #tpu.memory_space<hbm>> -> memref<1x1000xi32, #tpu.memory_space<hbm>>
    %dma_start3A_35 = tpu.memref_squeeze %dma_start3A_34 : memref<1x1000xi32, #tpu.memory_space<hbm>> -> memref<1000xi32, #tpu.memory_space<hbm>>
    %dma_start3A_36 = tpu.memref_slice %arg12[%dma_start3A_30] : memref<6x!tpu.dma_semaphore, #tpu.memory_space<semaphore_mem>> -> memref<1x!tpu.dma_semaphore, #tpu.memory_space<semaphore_mem>>
    %dma_start3A_37 = tpu.memref_squeeze %dma_start3A_36 : memref<1x!tpu.dma_semaphore, #tpu.memory_space<semaphore_mem>> -> memref<!tpu.dma_semaphore, #tpu.memory_space<semaphore_mem>>
    %dma_start3A_38 = arith.constant 0 : i32
    %dma_start3A_39 = tpu.memref_slice %arg7[%dma_start3A_29, %dma_start3A_38] : memref<6x1000xi32, #tpu.memory_space<vmem>> -> memref<1x1000xi32, #tpu.memory_space<vmem>>
    %dma_start3A_40 = tpu.memref_squeeze %dma_start3A_39 : memref<1x1000xi32, #tpu.memory_space<vmem>> -> memref<1000xi32, #tpu.memory_space<vmem>>
    %dma_start3A_41 = tpu.memref_slice %arg2[%dma_start3A_28, %add3A_13] : memref<2x3200000xi32, #tpu.memory_space<hbm>> -> memref<1x1000xi32, #tpu.memory_space<hbm>>
    %dma_start3A_42 = tpu.memref_squeeze %dma_start3A_41 : memref<1x1000xi32, #tpu.memory_space<hbm>> -> memref<1000xi32, #tpu.memory_space<hbm>>
    tpu.enqueue_dma source(%dma_start3A_42 : memref<1000xi32, #tpu.memory_space<hbm>>) target(%dma_start3A_40 : memref<1000xi32, #tpu.memory_space<vmem>>) target_semaphore(%dma_start3A_37 : memref<!tpu.dma_semaphore, #tpu.memory_space<semaphore_mem>>)
    %add3A_43 = arith.constant 1000 : i32
    %add3A_44 = arith.addi %mul3A_11, %add3A_43 : i32
    %dma_start3A_45 = arith.constant 0 : i32
    %dma_start3A_46 = arith.constant 1 : i32
    %dma_start3A_47 = arith.constant 1 : i32
    %dma_start3A_48 = arith.constant 0 : i32
    %dma_start3A_49 = tpu.memref_slice %arg6[%dma_start3A_46, %dma_start3A_48] : memref<6x1000xi32, #tpu.memory_space<vmem>> -> memref<1x1000xi32, #tpu.memory_space<vmem>>
    %dma_start3A_50 = tpu.memref_squeeze %dma_start3A_49 : memref<1x1000xi32, #tpu.memory_space<vmem>> -> memref<1000xi32, #tpu.memory_space<vmem>>
    %dma_start3A_51 = tpu.memref_slice %arg2[%dma_start3A_45, %add3A_44] : memref<2x3200000xi32, #tpu.memory_space<hbm>> -> memref<1x1000xi32, #tpu.memory_space<hbm>>
    %dma_start3A_52 = tpu.memref_squeeze %dma_start3A_51 : memref<1x1000xi32, #tpu.memory_space<hbm>> -> memref<1000xi32, #tpu.memory_space<hbm>>
    %dma_start3A_53 = tpu.memref_slice %arg12[%dma_start3A_47] : memref<6x!tpu.dma_semaphore, #tpu.memory_space<semaphore_mem>> -> memref<1x!tpu.dma_semaphore, #tpu.memory_space<semaphore_mem>>
    %dma_start3A_54 = tpu.memref_squeeze %dma_start3A_53 : memref<1x!tpu.dma_semaphore, #tpu.memory_space<semaphore_mem>> -> memref<!tpu.dma_semaphore, #tpu.memory_space<semaphore_mem>>
    %dma_start3A_55 = arith.constant 0 : i32
    %dma_start3A_56 = tpu.memref_slice %arg6[%dma_start3A_46, %dma_start3A_55] : memref<6x1000xi32, #tpu.memory_space<vmem>> -> memref<1x1000xi32, #tpu.memory_space<vmem>>
    %dma_start3A_57 = tpu.memref_squeeze %dma_start3A_56 : memref<1x1000xi32, #tpu.memory_space<vmem>> -> memref<1000xi32, #tpu.memory_space<vmem>>
    %dma_start3A_58 = tpu.memref_slice %arg2[%dma_start3A_45, %add3A_44] : memref<2x3200000xi32, #tpu.memory_space<hbm>> -> memref<1x1000xi32, #tpu.memory_space<hbm>>
    %dma_start3A_59 = tpu.memref_squeeze %dma_start3A_58 : memref<1x1000xi32, #tpu.memory_space<hbm>> -> memref<1000xi32, #tpu.memory_space<hbm>>
    tpu.enqueue_dma source(%dma_start3A_59 : memref<1000xi32, #tpu.memory_space<hbm>>) target(%dma_start3A_57 : memref<1000xi32, #tpu.memory_space<vmem>>) target_semaphore(%dma_start3A_54 : memref<!tpu.dma_semaphore, #tpu.memory_space<semaphore_mem>>)
    %dma_start3A_60 = arith.constant 1 : i32
    %dma_start3A_61 = arith.constant 1 : i32
    %dma_start3A_62 = arith.constant 1 : i32
    %dma_start3A_63 = arith.constant 0 : i32
    %dma_start3A_64 = tpu.memref_slice %arg7[%dma_start3A_61, %dma_start3A_63] : memref<6x1000xi32, #tpu.memory_space<vmem>> -> memref<1x1000xi32, #tpu.memory_space<vmem>>
    %dma_start3A_65 = tpu.memref_squeeze %dma_start3A_64 : memref<1x1000xi32, #tpu.memory_space<vmem>> -> memref<1000xi32, #tpu.memory_space<vmem>>
    %dma_start3A_66 = tpu.memref_slice %arg2[%dma_start3A_60, %add3A_44] : memref<2x3200000xi32, #tpu.memory_space<hbm>> -> memref<1x1000xi32, #tpu.memory_space<hbm>>
    %dma_start3A_67 = tpu.memref_squeeze %dma_start3A_66 : memref<1x1000xi32, #tpu.memory_space<hbm>> -> memref<1000xi32, #tpu.memory_space<hbm>>
    %dma_start3A_68 = tpu.memref_slice %arg12[%dma_start3A_62] : memref<6x!tpu.dma_semaphore, #tpu.memory_space<semaphore_mem>> -> memref<1x!tpu.dma_semaphore, #tpu.memory_space<semaphore_mem>>
    %dma_start3A_69 = tpu.memref_squeeze %dma_start3A_68 : memref<1x!tpu.dma_semaphore, #tpu.memory_space<semaphore_mem>> -> memref<!tpu.dma_semaphore, #tpu.memory_space<semaphore_mem>>
    %dma_start3A_70 = arith.constant 0 : i32
    %dma_start3A_71 = tpu.memref_slice %arg7[%dma_start3A_61, %dma_start3A_70] : memref<6x1000xi32, #tpu.memory_space<vmem>> -> memref<1x1000xi32, #tpu.memory_space<vmem>>
    %dma_start3A_72 = tpu.memref_squeeze %dma_start3A_71 : memref<1x1000xi32, #tpu.memory_space<vmem>> -> memref<1000xi32, #tpu.memory_space<vmem>>
    %dma_start3A_73 = tpu.memref_slice %arg2[%dma_start3A_60, %add3A_44] : memref<2x3200000xi32, #tpu.memory_space<hbm>> -> memref<1x1000xi32, #tpu.memory_space<hbm>>
    %dma_start3A_74 = tpu.memref_squeeze %dma_start3A_73 : memref<1x1000xi32, #tpu.memory_space<hbm>> -> memref<1000xi32, #tpu.memory_space<hbm>>
    tpu.enqueue_dma source(%dma_start3A_74 : memref<1000xi32, #tpu.memory_space<hbm>>) target(%dma_start3A_72 : memref<1000xi32, #tpu.memory_space<vmem>>) target_semaphore(%dma_start3A_69 : memref<!tpu.dma_semaphore, #tpu.memory_space<semaphore_mem>>)
    %dma_wait3A = arith.constant 0 : i32
    %dma_wait3A_75 = arith.constant 0 : i32
    %dma_wait3A_76 = arith.constant 0 : i32
    %dma_wait3A_77 = arith.constant 0 : i32
    %dma_wait3A_78 = tpu.memref_slice %arg6[%dma_wait3A_75, %dma_wait3A_77] : memref<6x1000xi32, #tpu.memory_space<vmem>> -> memref<1x1000xi32, #tpu.memory_space<vmem>>
    %dma_wait3A_79 = tpu.memref_squeeze %dma_wait3A_78 : memref<1x1000xi32, #tpu.memory_space<vmem>> -> memref<1000xi32, #tpu.memory_space<vmem>>
    %dma_wait3A_80 = arith.constant 0 : i32
    %dma_wait3A_81 = tpu.memref_slice %arg2[%dma_wait3A, %dma_wait3A_80] : memref<2x3200000xi32, #tpu.memory_space<hbm>> -> memref<1x1000xi32, #tpu.memory_space<hbm>>
    %dma_wait3A_82 = tpu.memref_squeeze %dma_wait3A_81 : memref<1x1000xi32, #tpu.memory_space<hbm>> -> memref<1000xi32, #tpu.memory_space<hbm>>
    %dma_wait3A_83 = tpu.memref_slice %arg12[%dma_wait3A_76] : memref<6x!tpu.dma_semaphore, #tpu.memory_space<semaphore_mem>> -> memref<1x!tpu.dma_semaphore, #tpu.memory_space<semaphore_mem>>
    %dma_wait3A_84 = tpu.memref_squeeze %dma_wait3A_83 : memref<1x!tpu.dma_semaphore, #tpu.memory_space<semaphore_mem>> -> memref<!tpu.dma_semaphore, #tpu.memory_space<semaphore_mem>>
    %dma_wait3A_85 = arith.constant 0 : i32
    %dma_wait3A_86 = tpu.memref_slice %arg6[%dma_wait3A_75, %dma_wait3A_85] : memref<6x1000xi32, #tpu.memory_space<vmem>> -> memref<1x1000xi32, #tpu.memory_space<vmem>>
    %dma_wait3A_87 = tpu.memref_squeeze %dma_wait3A_86 : memref<1x1000xi32, #tpu.memory_space<vmem>> -> memref<1000xi32, #tpu.memory_space<vmem>>
    %dma_wait3A_88 = arith.constant 0 : i32
    %dma_wait3A_89 = tpu.memref_slice %arg2[%dma_wait3A, %dma_wait3A_88] : memref<2x3200000xi32, #tpu.memory_space<hbm>> -> memref<1x1000xi32, #tpu.memory_space<hbm>>
    %dma_wait3A_90 = tpu.memref_squeeze %dma_wait3A_89 : memref<1x1000xi32, #tpu.memory_space<hbm>> -> memref<1000xi32, #tpu.memory_space<hbm>>
    tpu.wait_dma2 semaphore(%dma_wait3A_84 : memref<!tpu.dma_semaphore, #tpu.memory_space<semaphore_mem>>) src(%dma_wait3A_90 : memref<1000xi32, #tpu.memory_space<hbm>>) dst(%dma_wait3A_87 : memref<1000xi32, #tpu.memory_space<vmem>>)
    %dma_wait3A_91 = arith.constant 1 : i32
    %dma_wait3A_92 = arith.constant 0 : i32
    %dma_wait3A_93 = arith.constant 0 : i32
    %dma_wait3A_94 = arith.constant 0 : i32
    %dma_wait3A_95 = tpu.memref_slice %arg7[%dma_wait3A_92, %dma_wait3A_94] : memref<6x1000xi32, #tpu.memory_space<vmem>> -> memref<1x1000xi32, #tpu.memory_space<vmem>>
    %dma_wait3A_96 = tpu.memref_squeeze %dma_wait3A_95 : memref<1x1000xi32, #tpu.memory_space<vmem>> -> memref<1000xi32, #tpu.memory_space<vmem>>
    %dma_wait3A_97 = arith.constant 0 : i32
    %dma_wait3A_98 = tpu.memref_slice %arg2[%dma_wait3A_91, %dma_wait3A_97] : memref<2x3200000xi32, #tpu.memory_space<hbm>> -> memref<1x1000xi32, #tpu.memory_space<hbm>>
    %dma_wait3A_99 = tpu.memref_squeeze %dma_wait3A_98 : memref<1x1000xi32, #tpu.memory_space<hbm>> -> memref<1000xi32, #tpu.memory_space<hbm>>
    %dma_wait3A_100 = tpu.memref_slice %arg12[%dma_wait3A_93] : memref<6x!tpu.dma_semaphore, #tpu.memory_space<semaphore_mem>> -> memref<1x!tpu.dma_semaphore, #tpu.memory_space<semaphore_mem>>
    %dma_wait3A_101 = tpu.memref_squeeze %dma_wait3A_100 : memref<1x!tpu.dma_semaphore, #tpu.memory_space<semaphore_mem>> -> memref<!tpu.dma_semaphore, #tpu.memory_space<semaphore_mem>>
    %dma_wait3A_102 = arith.constant 0 : i32
    %dma_wait3A_103 = tpu.memref_slice %arg7[%dma_wait3A_92, %dma_wait3A_102] : memref<6x1000xi32, #tpu.memory_space<vmem>> -> memref<1x1000xi32, #tpu.memory_space<vmem>>
    %dma_wait3A_104 = tpu.memref_squeeze %dma_wait3A_103 : memref<1x1000xi32, #tpu.memory_space<vmem>> -> memref<1000xi32, #tpu.memory_space<vmem>>
    %dma_wait3A_105 = arith.constant 0 : i32
    %dma_wait3A_106 = tpu.memref_slice %arg2[%dma_wait3A_91, %dma_wait3A_105] : memref<2x3200000xi32, #tpu.memory_space<hbm>> -> memref<1x1000xi32, #tpu.memory_space<hbm>>
    %dma_wait3A_107 = tpu.memref_squeeze %dma_wait3A_106 : memref<1x1000xi32, #tpu.memory_space<hbm>> -> memref<1000xi32, #tpu.memory_space<hbm>>
    tpu.wait_dma2 semaphore(%dma_wait3A_101 : memref<!tpu.dma_semaphore, #tpu.memory_space<semaphore_mem>>) src(%dma_wait3A_107 : memref<1000xi32, #tpu.memory_space<hbm>>) dst(%dma_wait3A_104 : memref<1000xi32, #tpu.memory_space<vmem>>)
    %dma_start3A_108 = arith.constant 0 : i32
    %dma_start3A_109 = arith.constant 0 : i32
    %dma_start3A_110 = arith.constant 0 : i32
    %dma_start3A_111 = arith.constant 0 : i32
    %dma_start3A_112 = arith.constant 0 : i32
    %dma_start3A_113 = tpu.memref_slice %arg8[%dma_start3A_109, %dma_start3A_111, %dma_start3A_112] : memref<6x1000x8xf32, #tpu.memory_space<vmem>> -> memref<1x1000x8xf32, #tpu.memory_space<vmem>>
    %dma_start3A_114 = tpu.memref_squeeze %dma_start3A_113 : memref<1x1000x8xf32, #tpu.memory_space<vmem>> -> memref<1000x8xf32, #tpu.memory_space<vmem>>
    %dma_start3A_115 = arith.constant 0 : i32
    %dma_start3A_116 = tpu.memref_slice %arg6[%dma_start3A_108, %dma_start3A_115] : memref<6x1000xi32, #tpu.memory_space<vmem>> -> memref<1x1000xi32, #tpu.memory_space<vmem>>
    %dma_start3A_117 = tpu.memref_squeeze %dma_start3A_116 : memref<1x1000xi32, #tpu.memory_space<vmem>> -> memref<1000xi32, #tpu.memory_space<vmem>>
    %dma_start3A_118 = arith.constant 0 : i32
    %dma_start3A_119 = arith.constant 0 : i32
    %dma_start3A_120 = tpu.memref_slice %arg3[%dma_start3A_118, %dma_start3A_119] : memref<100000x8xf32, #tpu.memory_space<hbm>> -> memref<100000x8xf32, #tpu.memory_space<hbm>>
    %dma_start3A_121 = tpu.memref_slice %arg10[%dma_start3A_110] : memref<6x!tpu.dma_semaphore, #tpu.memory_space<semaphore_mem>> -> memref<1x!tpu.dma_semaphore, #tpu.memory_space<semaphore_mem>>
    %dma_start3A_122 = tpu.memref_squeeze %dma_start3A_121 : memref<1x!tpu.dma_semaphore, #tpu.memory_space<semaphore_mem>> -> memref<!tpu.dma_semaphore, #tpu.memory_space<semaphore_mem>>
    tpu.enqueue_indirect_dma source(%dma_start3A_120 : memref<100000x8xf32, #tpu.memory_space<hbm>>) target(%dma_start3A_114 : memref<1000x8xf32, #tpu.memory_space<vmem>>) offsets(%dma_start3A_117 : memref<1000xi32, #tpu.memory_space<vmem>>) semaphore(%dma_start3A_122 : memref<!tpu.dma_semaphore, #tpu.memory_space<semaphore_mem>>)
    %scan3A = arith.constant 0 : i32
    %scan3A_123 = arith.constant 0 : i32
    %scan3A_124 = arith.constant 100 : i32
    %scan3A_125 = arith.addi %scan3A_123, %scan3A_124 : i32
    %scan3A_126 = arith.constant 1 : i32
    scf.for %scan3A_206 = %scan3A_123 to %scan3A_125 step %scan3A_126  : i32 {
      %jit3A = arith.constant 6 : i32
      %eq3A_207 = arith.constant 0 : i32
      %eq3A_208 = arith.cmpi eq, %jit3A, %eq3A_207 : i32
      %jit3A_209 = arith.constant 1 : i32
      %select_n3A = arith.select %eq3A_208, %jit3A_209, %jit3A : i32
      %rem3A = arith.remsi %scan3A_206, %select_n3A : i32
      %ne3A = arith.constant 0 : i32
      %ne3A_210 = arith.cmpi ne, %rem3A, %ne3A : i32
      %lt3A = arith.constant 0 : i32
      %lt3A_211 = arith.cmpi slt, %rem3A, %lt3A : i32
      %lt3A_212 = arith.constant 0 : i32
      %lt3A_213 = arith.cmpi slt, %select_n3A, %lt3A_212 : i32
      %ne3A_214 = arith.xori %lt3A_211, %lt3A_213 : i1
      %and3A = arith.andi %ne3A_214, %ne3A_210 : i1
      %add3A_215 = arith.addi %rem3A, %select_n3A : i32
      %select_n3A_216 = arith.select %and3A, %add3A_215, %rem3A : i32
      %add3A_217 = arith.constant 1 : i32
      %add3A_218 = arith.addi %scan3A_206, %add3A_217 : i32
      %jit3A_219 = arith.constant 6 : i32
      %eq3A_220 = arith.constant 0 : i32
      %eq3A_221 = arith.cmpi eq, %jit3A_219, %eq3A_220 : i32
      %jit3A_222 = arith.constant 1 : i32
      %select_n3A_223 = arith.select %eq3A_221, %jit3A_222, %jit3A_219 : i32
      %rem3A_224 = arith.remsi %add3A_218, %select_n3A_223 : i32
      %ne3A_225 = arith.constant 0 : i32
      %ne3A_226 = arith.cmpi ne, %rem3A_224, %ne3A_225 : i32
      %lt3A_227 = arith.constant 0 : i32
      %lt3A_228 = arith.cmpi slt, %rem3A_224, %lt3A_227 : i32
      %lt3A_229 = arith.constant 0 : i32
      %lt3A_230 = arith.cmpi slt, %select_n3A_223, %lt3A_229 : i32
      %ne3A_231 = arith.xori %lt3A_228, %lt3A_230 : i1
      %and3A_232 = arith.andi %ne3A_231, %ne3A_226 : i1
      %add3A_233 = arith.addi %rem3A_224, %select_n3A_223 : i32
      %select_n3A_234 = arith.select %and3A_232, %add3A_233, %rem3A_224 : i32
      %add3A_235 = arith.constant 2 : i32
      %add3A_236 = arith.addi %scan3A_206, %add3A_235 : i32
      %jit3A_237 = arith.constant 6 : i32
      %eq3A_238 = arith.constant 0 : i32
      %eq3A_239 = arith.cmpi eq, %jit3A_237, %eq3A_238 : i32
      %jit3A_240 = arith.constant 1 : i32
      %select_n3A_241 = arith.select %eq3A_239, %jit3A_240, %jit3A_237 : i32
      %rem3A_242 = arith.remsi %add3A_236, %select_n3A_241 : i32
      %ne3A_243 = arith.constant 0 : i32
      %ne3A_244 = arith.cmpi ne, %rem3A_242, %ne3A_243 : i32
      %lt3A_245 = arith.constant 0 : i32
      %lt3A_246 = arith.cmpi slt, %rem3A_242, %lt3A_245 : i32
      %lt3A_247 = arith.constant 0 : i32
      %lt3A_248 = arith.cmpi slt, %select_n3A_241, %lt3A_247 : i32
      %ne3A_249 = arith.xori %lt3A_246, %lt3A_248 : i1
      %and3A_250 = arith.andi %ne3A_249, %ne3A_244 : i1
      %add3A_251 = arith.addi %rem3A_242, %select_n3A_241 : i32
      %select_n3A_252 = arith.select %and3A_250, %add3A_251, %rem3A_242 : i32
      %ge3A = arith.constant 4 : i32
      %ge3A_253 = arith.cmpi sge, %scan3A_206, %ge3A : i32
      %convert_element_type3A_254 = arith.extui %ge3A_253 : i1 to i32
      %cond3A_255 = arith.constant 0 : i32
      %cond3A_256 = arith.cmpi ne, %convert_element_type3A_254, %cond3A_255 : i32
      scf.if %cond3A_256 {
        %sub3A = arith.constant 4 : i32
        %sub3A_299 = arith.subi %scan3A_206, %sub3A : i32
        %jit3A_300 = arith.constant 6 : i32
        %eq3A_301 = arith.constant 0 : i32
        %eq3A_302 = arith.cmpi eq, %jit3A_300, %eq3A_301 : i32
        %jit3A_303 = arith.constant 1 : i32
        %select_n3A_304 = arith.select %eq3A_302, %jit3A_303, %jit3A_300 : i32
        %rem3A_305 = arith.remsi %sub3A_299, %select_n3A_304 : i32
        %ne3A_306 = arith.constant 0 : i32
        %ne3A_307 = arith.cmpi ne, %rem3A_305, %ne3A_306 : i32
        %lt3A_308 = arith.constant 0 : i32
        %lt3A_309 = arith.cmpi slt, %rem3A_305, %lt3A_308 : i32
        %lt3A_310 = arith.constant 0 : i32
        %lt3A_311 = arith.cmpi slt, %select_n3A_304, %lt3A_310 : i32
        %ne3A_312 = arith.xori %lt3A_309, %lt3A_311 : i1
        %and3A_313 = arith.andi %ne3A_312, %ne3A_307 : i1
        %add3A_314 = arith.addi %rem3A_305, %select_n3A_304 : i32
        %select_n3A_315 = arith.select %and3A_313, %add3A_314, %rem3A_305 : i32
        %dma_wait3A_316 = arith.constant 0 : i32
        %dma_wait3A_317 = arith.constant 0 : i32
        %dma_wait3A_318 = tpu.memref_slice %arg8[%select_n3A_315, %dma_wait3A_316, %dma_wait3A_317] : memref<6x1000x8xf32, #tpu.memory_space<vmem>> -> memref<1x1000x8xf32, #tpu.memory_space<vmem>>
        %dma_wait3A_319 = tpu.memref_squeeze %dma_wait3A_318 : memref<1x1000x8xf32, #tpu.memory_space<vmem>> -> memref<1000x8xf32, #tpu.memory_space<vmem>>
        %dma_wait3A_320 = arith.constant 0 : i32
        %dma_wait3A_321 = arith.constant 0 : i32
        %dma_wait3A_322 = tpu.memref_slice %arg9[%dma_wait3A_320, %dma_wait3A_321] : memref<100000x8xf32, #tpu.memory_space<vmem_shared>> -> memref<1000x8xf32, #tpu.memory_space<vmem_shared>>
        %dma_wait3A_323 = tpu.memref_slice %arg11[%select_n3A_315] : memref<6x!tpu.dma_semaphore, #tpu.memory_space<semaphore_mem>> -> memref<1x!tpu.dma_semaphore, #tpu.memory_space<semaphore_mem>>
        %dma_wait3A_324 = tpu.memref_squeeze %dma_wait3A_323 : memref<1x!tpu.dma_semaphore, #tpu.memory_space<semaphore_mem>> -> memref<!tpu.dma_semaphore, #tpu.memory_space<semaphore_mem>>
        %dma_wait3A_325 = arith.constant 0 : i32
        %dma_wait3A_326 = arith.constant 0 : i32
        %dma_wait3A_327 = tpu.memref_slice %arg9[%dma_wait3A_325, %dma_wait3A_326] : memref<100000x8xf32, #tpu.memory_space<vmem_shared>> -> memref<1000x8xf32, #tpu.memory_space<vmem_shared>>
        %dma_wait3A_328 = arith.constant 0 : i32
        %dma_wait3A_329 = arith.constant 0 : i32
        %dma_wait3A_330 = tpu.memref_slice %arg8[%select_n3A_315, %dma_wait3A_328, %dma_wait3A_329] : memref<6x1000x8xf32, #tpu.memory_space<vmem>> -> memref<1x1000x8xf32, #tpu.memory_space<vmem>>
        %dma_wait3A_331 = tpu.memref_squeeze %dma_wait3A_330 : memref<1x1000x8xf32, #tpu.memory_space<vmem>> -> memref<1000x8xf32, #tpu.memory_space<vmem>>
        tpu.wait_dma2 semaphore(%dma_wait3A_324 : memref<!tpu.dma_semaphore, #tpu.memory_space<semaphore_mem>>) src(%dma_wait3A_331 : memref<1000x8xf32, #tpu.memory_space<vmem>>) dst(%dma_wait3A_327 : memref<1000x8xf32, #tpu.memory_space<vmem_shared>>)
      } else {
      }
      %add3A_257 = arith.constant 2 : i32
      %add3A_258 = arith.addi %scan3A_206, %add3A_257 : i32
      %lt3A_259 = arith.constant 100 : i32
      %lt3A_260 = arith.cmpi slt, %add3A_258, %lt3A_259 : i32
      %convert_element_type3A_261 = arith.extui %lt3A_260 : i1 to i32
      %cond3A_262 = arith.constant 0 : i32
      %cond3A_263 = arith.cmpi ne, %convert_element_type3A_261, %cond3A_262 : i32
      scf.if %cond3A_263 {
        %add3A_299 = arith.constant 2 : i32
        %add3A_300 = arith.addi %scan3A_206, %add3A_299 : i32
        %mul3A_301 = arith.constant 1000 : i32
        %mul3A_302 = arith.muli %add3A_300, %mul3A_301 : i32
        %add3A_303 = arith.addi %mul3A_11, %mul3A_302 : i32
        %dma_start3A_304 = arith.constant 0 : i32
        %dma_start3A_305 = arith.constant 0 : i32
        %dma_start3A_306 = tpu.memref_slice %arg6[%select_n3A_252, %dma_start3A_305] : memref<6x1000xi32, #tpu.memory_space<vmem>> -> memref<1x1000xi32, #tpu.memory_space<vmem>>
        %dma_start3A_307 = tpu.memref_squeeze %dma_start3A_306 : memref<1x1000xi32, #tpu.memory_space<vmem>> -> memref<1000xi32, #tpu.memory_space<vmem>>
        %dma_start3A_308 = tpu.memref_slice %arg2[%dma_start3A_304, %add3A_303] : memref<2x3200000xi32, #tpu.memory_space<hbm>> -> memref<1x1000xi32, #tpu.memory_space<hbm>>
        %dma_start3A_309 = tpu.memref_squeeze %dma_start3A_308 : memref<1x1000xi32, #tpu.memory_space<hbm>> -> memref<1000xi32, #tpu.memory_space<hbm>>
        %dma_start3A_310 = tpu.memref_slice %arg12[%select_n3A_252] : memref<6x!tpu.dma_semaphore, #tpu.memory_space<semaphore_mem>> -> memref<1x!tpu.dma_semaphore, #tpu.memory_space<semaphore_mem>>
        %dma_start3A_311 = tpu.memref_squeeze %dma_start3A_310 : memref<1x!tpu.dma_semaphore, #tpu.memory_space<semaphore_mem>> -> memref<!tpu.dma_semaphore, #tpu.memory_space<semaphore_mem>>
        %dma_start3A_312 = arith.constant 0 : i32
        %dma_start3A_313 = tpu.memref_slice %arg6[%select_n3A_252, %dma_start3A_312] : memref<6x1000xi32, #tpu.memory_space<vmem>> -> memref<1x1000xi32, #tpu.memory_space<vmem>>
        %dma_start3A_314 = tpu.memref_squeeze %dma_start3A_313 : memref<1x1000xi32, #tpu.memory_space<vmem>> -> memref<1000xi32, #tpu.memory_space<vmem>>
        %dma_start3A_315 = tpu.memref_slice %arg2[%dma_start3A_304, %add3A_303] : memref<2x3200000xi32, #tpu.memory_space<hbm>> -> memref<1x1000xi32, #tpu.memory_space<hbm>>
        %dma_start3A_316 = tpu.memref_squeeze %dma_start3A_315 : memref<1x1000xi32, #tpu.memory_space<hbm>> -> memref<1000xi32, #tpu.memory_space<hbm>>
        tpu.enqueue_dma source(%dma_start3A_316 : memref<1000xi32, #tpu.memory_space<hbm>>) target(%dma_start3A_314 : memref<1000xi32, #tpu.memory_space<vmem>>) target_semaphore(%dma_start3A_311 : memref<!tpu.dma_semaphore, #tpu.memory_space<semaphore_mem>>)
        %dma_start3A_317 = arith.constant 1 : i32
        %dma_start3A_318 = arith.constant 0 : i32
        %dma_start3A_319 = tpu.memref_slice %arg7[%select_n3A_252, %dma_start3A_318] : memref<6x1000xi32, #tpu.memory_space<vmem>> -> memref<1x1000xi32, #tpu.memory_space<vmem>>
        %dma_start3A_320 = tpu.memref_squeeze %dma_start3A_319 : memref<1x1000xi32, #tpu.memory_space<vmem>> -> memref<1000xi32, #tpu.memory_space<vmem>>
        %dma_start3A_321 = tpu.memref_slice %arg2[%dma_start3A_317, %add3A_303] : memref<2x3200000xi32, #tpu.memory_space<hbm>> -> memref<1x1000xi32, #tpu.memory_space<hbm>>
        %dma_start3A_322 = tpu.memref_squeeze %dma_start3A_321 : memref<1x1000xi32, #tpu.memory_space<hbm>> -> memref<1000xi32, #tpu.memory_space<hbm>>
        %dma_start3A_323 = tpu.memref_slice %arg12[%select_n3A_252] : memref<6x!tpu.dma_semaphore, #tpu.memory_space<semaphore_mem>> -> memref<1x!tpu.dma_semaphore, #tpu.memory_space<semaphore_mem>>
        %dma_start3A_324 = tpu.memref_squeeze %dma_start3A_323 : memref<1x!tpu.dma_semaphore, #tpu.memory_space<semaphore_mem>> -> memref<!tpu.dma_semaphore, #tpu.memory_space<semaphore_mem>>
        %dma_start3A_325 = arith.constant 0 : i32
        %dma_start3A_326 = tpu.memref_slice %arg7[%select_n3A_252, %dma_start3A_325] : memref<6x1000xi32, #tpu.memory_space<vmem>> -> memref<1x1000xi32, #tpu.memory_space<vmem>>
        %dma_start3A_327 = tpu.memref_squeeze %dma_start3A_326 : memref<1x1000xi32, #tpu.memory_space<vmem>> -> memref<1000xi32, #tpu.memory_space<vmem>>
        %dma_start3A_328 = tpu.memref_slice %arg2[%dma_start3A_317, %add3A_303] : memref<2x3200000xi32, #tpu.memory_space<hbm>> -> memref<1x1000xi32, #tpu.memory_space<hbm>>
        %dma_start3A_329 = tpu.memref_squeeze %dma_start3A_328 : memref<1x1000xi32, #tpu.memory_space<hbm>> -> memref<1000xi32, #tpu.memory_space<hbm>>
        tpu.enqueue_dma source(%dma_start3A_329 : memref<1000xi32, #tpu.memory_space<hbm>>) target(%dma_start3A_327 : memref<1000xi32, #tpu.memory_space<vmem>>) target_semaphore(%dma_start3A_324 : memref<!tpu.dma_semaphore, #tpu.memory_space<semaphore_mem>>)
      } else {
      }
      %add3A_264 = arith.constant 1 : i32
      %add3A_265 = arith.addi %scan3A_206, %add3A_264 : i32
      %lt3A_266 = arith.constant 100 : i32
      %lt3A_267 = arith.cmpi slt, %add3A_265, %lt3A_266 : i32
      %convert_element_type3A_268 = arith.extui %lt3A_267 : i1 to i32
      %cond3A_269 = arith.constant 0 : i32
      %cond3A_270 = arith.cmpi ne, %convert_element_type3A_268, %cond3A_269 : i32
      scf.if %cond3A_270 {
        %dma_wait3A_299 = arith.constant 0 : i32
        %dma_wait3A_300 = arith.constant 0 : i32
        %dma_wait3A_301 = tpu.memref_slice %arg6[%select_n3A_234, %dma_wait3A_300] : memref<6x1000xi32, #tpu.memory_space<vmem>> -> memref<1x1000xi32, #tpu.memory_space<vmem>>
        %dma_wait3A_302 = tpu.memref_squeeze %dma_wait3A_301 : memref<1x1000xi32, #tpu.memory_space<vmem>> -> memref<1000xi32, #tpu.memory_space<vmem>>
        %dma_wait3A_303 = arith.constant 0 : i32
        %dma_wait3A_304 = tpu.memref_slice %arg2[%dma_wait3A_299, %dma_wait3A_303] : memref<2x3200000xi32, #tpu.memory_space<hbm>> -> memref<1x1000xi32, #tpu.memory_space<hbm>>
        %dma_wait3A_305 = tpu.memref_squeeze %dma_wait3A_304 : memref<1x1000xi32, #tpu.memory_space<hbm>> -> memref<1000xi32, #tpu.memory_space<hbm>>
        %dma_wait3A_306 = tpu.memref_slice %arg12[%select_n3A_234] : memref<6x!tpu.dma_semaphore, #tpu.memory_space<semaphore_mem>> -> memref<1x!tpu.dma_semaphore, #tpu.memory_space<semaphore_mem>>
        %dma_wait3A_307 = tpu.memref_squeeze %dma_wait3A_306 : memref<1x!tpu.dma_semaphore, #tpu.memory_space<semaphore_mem>> -> memref<!tpu.dma_semaphore, #tpu.memory_space<semaphore_mem>>
        %dma_wait3A_308 = arith.constant 0 : i32
        %dma_wait3A_309 = tpu.memref_slice %arg6[%select_n3A_234, %dma_wait3A_308] : memref<6x1000xi32, #tpu.memory_space<vmem>> -> memref<1x1000xi32, #tpu.memory_space<vmem>>
        %dma_wait3A_310 = tpu.memref_squeeze %dma_wait3A_309 : memref<1x1000xi32, #tpu.memory_space<vmem>> -> memref<1000xi32, #tpu.memory_space<vmem>>
        %dma_wait3A_311 = arith.constant 0 : i32
        %dma_wait3A_312 = tpu.memref_slice %arg2[%dma_wait3A_299, %dma_wait3A_311] : memref<2x3200000xi32, #tpu.memory_space<hbm>> -> memref<1x1000xi32, #tpu.memory_space<hbm>>
        %dma_wait3A_313 = tpu.memref_squeeze %dma_wait3A_312 : memref<1x1000xi32, #tpu.memory_space<hbm>> -> memref<1000xi32, #tpu.memory_space<hbm>>
        tpu.wait_dma2 semaphore(%dma_wait3A_307 : memref<!tpu.dma_semaphore, #tpu.memory_space<semaphore_mem>>) src(%dma_wait3A_313 : memref<1000xi32, #tpu.memory_space<hbm>>) dst(%dma_wait3A_310 : memref<1000xi32, #tpu.memory_space<vmem>>)
        %dma_wait3A_314 = arith.constant 1 : i32
        %dma_wait3A_315 = arith.constant 0 : i32
        %dma_wait3A_316 = tpu.memref_slice %arg7[%select_n3A_234, %dma_wait3A_315] : memref<6x1000xi32, #tpu.memory_space<vmem>> -> memref<1x1000xi32, #tpu.memory_space<vmem>>
        %dma_wait3A_317 = tpu.memref_squeeze %dma_wait3A_316 : memref<1x1000xi32, #tpu.memory_space<vmem>> -> memref<1000xi32, #tpu.memory_space<vmem>>
        %dma_wait3A_318 = arith.constant 0 : i32
        %dma_wait3A_319 = tpu.memref_slice %arg2[%dma_wait3A_314, %dma_wait3A_318] : memref<2x3200000xi32, #tpu.memory_space<hbm>> -> memref<1x1000xi32, #tpu.memory_space<hbm>>
        %dma_wait3A_320 = tpu.memref_squeeze %dma_wait3A_319 : memref<1x1000xi32, #tpu.memory_space<hbm>> -> memref<1000xi32, #tpu.memory_space<hbm>>
        %dma_wait3A_321 = tpu.memref_slice %arg12[%select_n3A_234] : memref<6x!tpu.dma_semaphore, #tpu.memory_space<semaphore_mem>> -> memref<1x!tpu.dma_semaphore, #tpu.memory_space<semaphore_mem>>
        %dma_wait3A_322 = tpu.memref_squeeze %dma_wait3A_321 : memref<1x!tpu.dma_semaphore, #tpu.memory_space<semaphore_mem>> -> memref<!tpu.dma_semaphore, #tpu.memory_space<semaphore_mem>>
        %dma_wait3A_323 = arith.constant 0 : i32
        %dma_wait3A_324 = tpu.memref_slice %arg7[%select_n3A_234, %dma_wait3A_323] : memref<6x1000xi32, #tpu.memory_space<vmem>> -> memref<1x1000xi32, #tpu.memory_space<vmem>>
        %dma_wait3A_325 = tpu.memref_squeeze %dma_wait3A_324 : memref<1x1000xi32, #tpu.memory_space<vmem>> -> memref<1000xi32, #tpu.memory_space<vmem>>
        %dma_wait3A_326 = arith.constant 0 : i32
        %dma_wait3A_327 = tpu.memref_slice %arg2[%dma_wait3A_314, %dma_wait3A_326] : memref<2x3200000xi32, #tpu.memory_space<hbm>> -> memref<1x1000xi32, #tpu.memory_space<hbm>>
        %dma_wait3A_328 = tpu.memref_squeeze %dma_wait3A_327 : memref<1x1000xi32, #tpu.memory_space<hbm>> -> memref<1000xi32, #tpu.memory_space<hbm>>
        tpu.wait_dma2 semaphore(%dma_wait3A_322 : memref<!tpu.dma_semaphore, #tpu.memory_space<semaphore_mem>>) src(%dma_wait3A_328 : memref<1000xi32, #tpu.memory_space<hbm>>) dst(%dma_wait3A_325 : memref<1000xi32, #tpu.memory_space<vmem>>)
        %dma_start3A_329 = arith.constant 0 : i32
        %dma_start3A_330 = arith.constant 0 : i32
        %dma_start3A_331 = tpu.memref_slice %arg8[%select_n3A_234, %dma_start3A_329, %dma_start3A_330] : memref<6x1000x8xf32, #tpu.memory_space<vmem>> -> memref<1x1000x8xf32, #tpu.memory_space<vmem>>
        %dma_start3A_332 = tpu.memref_squeeze %dma_start3A_331 : memref<1x1000x8xf32, #tpu.memory_space<vmem>> -> memref<1000x8xf32, #tpu.memory_space<vmem>>
        %dma_start3A_333 = arith.constant 0 : i32
        %dma_start3A_334 = tpu.memref_slice %arg6[%select_n3A_234, %dma_start3A_333] : memref<6x1000xi32, #tpu.memory_space<vmem>> -> memref<1x1000xi32, #tpu.memory_space<vmem>>
        %dma_start3A_335 = tpu.memref_squeeze %dma_start3A_334 : memref<1x1000xi32, #tpu.memory_space<vmem>> -> memref<1000xi32, #tpu.memory_space<vmem>>
        %dma_start3A_336 = arith.constant 0 : i32
        %dma_start3A_337 = arith.constant 0 : i32
        %dma_start3A_338 = tpu.memref_slice %arg3[%dma_start3A_336, %dma_start3A_337] : memref<100000x8xf32, #tpu.memory_space<hbm>> -> memref<100000x8xf32, #tpu.memory_space<hbm>>
        %dma_start3A_339 = tpu.memref_slice %arg10[%select_n3A_234] : memref<6x!tpu.dma_semaphore, #tpu.memory_space<semaphore_mem>> -> memref<1x!tpu.dma_semaphore, #tpu.memory_space<semaphore_mem>>
        %dma_start3A_340 = tpu.memref_squeeze %dma_start3A_339 : memref<1x!tpu.dma_semaphore, #tpu.memory_space<semaphore_mem>> -> memref<!tpu.dma_semaphore, #tpu.memory_space<semaphore_mem>>
        tpu.enqueue_indirect_dma source(%dma_start3A_338 : memref<100000x8xf32, #tpu.memory_space<hbm>>) target(%dma_start3A_332 : memref<1000x8xf32, #tpu.memory_space<vmem>>) offsets(%dma_start3A_335 : memref<1000xi32, #tpu.memory_space<vmem>>) semaphore(%dma_start3A_340 : memref<!tpu.dma_semaphore, #tpu.memory_space<semaphore_mem>>)
      } else {
      }
      %dma_wait3A_271 = arith.constant 0 : i32
      %dma_wait3A_272 = arith.constant 0 : i32
      %dma_wait3A_273 = tpu.memref_slice %arg8[%select_n3A_216, %dma_wait3A_271, %dma_wait3A_272] : memref<6x1000x8xf32, #tpu.memory_space<vmem>> -> memref<1x1000x8xf32, #tpu.memory_space<vmem>>
      %dma_wait3A_274 = tpu.memref_squeeze %dma_wait3A_273 : memref<1x1000x8xf32, #tpu.memory_space<vmem>> -> memref<1000x8xf32, #tpu.memory_space<vmem>>
      %dma_wait3A_275 = arith.constant 0 : i32
      %dma_wait3A_276 = arith.constant 0 : i32
      %dma_wait3A_277 = tpu.memref_slice %arg3[%dma_wait3A_275, %dma_wait3A_276] : memref<100000x8xf32, #tpu.memory_space<hbm>> -> memref<1000x8xf32, #tpu.memory_space<hbm>>
      %dma_wait3A_278 = tpu.memref_slice %arg10[%select_n3A_216] : memref<6x!tpu.dma_semaphore, #tpu.memory_space<semaphore_mem>> -> memref<1x!tpu.dma_semaphore, #tpu.memory_space<semaphore_mem>>
      %dma_wait3A_279 = tpu.memref_squeeze %dma_wait3A_278 : memref<1x!tpu.dma_semaphore, #tpu.memory_space<semaphore_mem>> -> memref<!tpu.dma_semaphore, #tpu.memory_space<semaphore_mem>>
      %dma_wait3A_280 = arith.constant 0 : i32
      %dma_wait3A_281 = arith.constant 0 : i32
      %dma_wait3A_282 = tpu.memref_slice %arg8[%select_n3A_216, %dma_wait3A_280, %dma_wait3A_281] : memref<6x1000x8xf32, #tpu.memory_space<vmem>> -> memref<1x1000x8xf32, #tpu.memory_space<vmem>>
      %dma_wait3A_283 = tpu.memref_squeeze %dma_wait3A_282 : memref<1x1000x8xf32, #tpu.memory_space<vmem>> -> memref<1000x8xf32, #tpu.memory_space<vmem>>
      %dma_wait3A_284 = arith.constant 0 : i32
      %dma_wait3A_285 = arith.constant 0 : i32
      %dma_wait3A_286 = tpu.memref_slice %arg3[%dma_wait3A_284, %dma_wait3A_285] : memref<100000x8xf32, #tpu.memory_space<hbm>> -> memref<1000x8xf32, #tpu.memory_space<hbm>>
      tpu.wait_dma2 semaphore(%dma_wait3A_279 : memref<!tpu.dma_semaphore, #tpu.memory_space<semaphore_mem>>) src(%dma_wait3A_286 : memref<1000x8xf32, #tpu.memory_space<hbm>>) dst(%dma_wait3A_283 : memref<1000x8xf32, #tpu.memory_space<vmem>>)
      %dma_start3A_287 = arith.constant 0 : i32
      %dma_start3A_288 = arith.constant 0 : i32
      %dma_start3A_289 = tpu.memref_slice %arg8[%select_n3A_216, %dma_start3A_287, %dma_start3A_288] : memref<6x1000x8xf32, #tpu.memory_space<vmem>> -> memref<1x1000x8xf32, #tpu.memory_space<vmem>>
      %dma_start3A_290 = tpu.memref_squeeze %dma_start3A_289 : memref<1x1000x8xf32, #tpu.memory_space<vmem>> -> memref<1000x8xf32, #tpu.memory_space<vmem>>
      %dma_start3A_291 = arith.constant 0 : i32
      %dma_start3A_292 = tpu.memref_slice %arg7[%select_n3A_216, %dma_start3A_291] : memref<6x1000xi32, #tpu.memory_space<vmem>> -> memref<1x1000xi32, #tpu.memory_space<vmem>>
      %dma_start3A_293 = tpu.memref_squeeze %dma_start3A_292 : memref<1x1000xi32, #tpu.memory_space<vmem>> -> memref<1000xi32, #tpu.memory_space<vmem>>
      %dma_start3A_294 = arith.constant 0 : i32
      %dma_start3A_295 = arith.constant 0 : i32
      %dma_start3A_296 = tpu.memref_slice %arg9[%dma_start3A_294, %dma_start3A_295] : memref<100000x8xf32, #tpu.memory_space<vmem_shared>> -> memref<100000x8xf32, #tpu.memory_space<vmem_shared>>
      %dma_start3A_297 = tpu.memref_slice %arg11[%select_n3A_216] : memref<6x!tpu.dma_semaphore, #tpu.memory_space<semaphore_mem>> -> memref<1x!tpu.dma_semaphore, #tpu.memory_space<semaphore_mem>>
      %dma_start3A_298 = tpu.memref_squeeze %dma_start3A_297 : memref<1x!tpu.dma_semaphore, #tpu.memory_space<semaphore_mem>> -> memref<!tpu.dma_semaphore, #tpu.memory_space<semaphore_mem>>
      tpu.enqueue_indirect_dma source(%dma_start3A_290 : memref<1000x8xf32, #tpu.memory_space<vmem>>) target(%dma_start3A_296 : memref<100000x8xf32, #tpu.memory_space<vmem_shared>>) offsets(%dma_start3A_293 : memref<1000xi32, #tpu.memory_space<vmem>>) semaphore(%dma_start3A_298 : memref<!tpu.dma_semaphore, #tpu.memory_space<semaphore_mem>>) {add = true}
    }
    %scan3A_127 = arith.constant 100 : i32
    %dma_wait3A_128 = arith.constant 0 : i32
    %dma_wait3A_129 = arith.constant 0 : i32
    %dma_wait3A_130 = arith.constant 0 : i32
    %dma_wait3A_131 = arith.constant 0 : i32
    %dma_wait3A_132 = tpu.memref_slice %arg8[%dma_wait3A_128, %dma_wait3A_130, %dma_wait3A_131] : memref<6x1000x8xf32, #tpu.memory_space<vmem>> -> memref<1x1000x8xf32, #tpu.memory_space<vmem>>
    %dma_wait3A_133 = tpu.memref_squeeze %dma_wait3A_132 : memref<1x1000x8xf32, #tpu.memory_space<vmem>> -> memref<1000x8xf32, #tpu.memory_space<vmem>>
    %dma_wait3A_134 = arith.constant 0 : i32
    %dma_wait3A_135 = arith.constant 0 : i32
    %dma_wait3A_136 = tpu.memref_slice %arg9[%dma_wait3A_134, %dma_wait3A_135] : memref<100000x8xf32, #tpu.memory_space<vmem_shared>> -> memref<1000x8xf32, #tpu.memory_space<vmem_shared>>
    %dma_wait3A_137 = tpu.memref_slice %arg11[%dma_wait3A_129] : memref<6x!tpu.dma_semaphore, #tpu.memory_space<semaphore_mem>> -> memref<1x!tpu.dma_semaphore, #tpu.memory_space<semaphore_mem>>
    %dma_wait3A_138 = tpu.memref_squeeze %dma_wait3A_137 : memref<1x!tpu.dma_semaphore, #tpu.memory_space<semaphore_mem>> -> memref<!tpu.dma_semaphore, #tpu.memory_space<semaphore_mem>>
    %dma_wait3A_139 = arith.constant 0 : i32
    %dma_wait3A_140 = arith.constant 0 : i32
    %dma_wait3A_141 = tpu.memref_slice %arg9[%dma_wait3A_139, %dma_wait3A_140] : memref<100000x8xf32, #tpu.memory_space<vmem_shared>> -> memref<1000x8xf32, #tpu.memory_space<vmem_shared>>
    %dma_wait3A_142 = arith.constant 0 : i32
    %dma_wait3A_143 = arith.constant 0 : i32
    %dma_wait3A_144 = tpu.memref_slice %arg8[%dma_wait3A_128, %dma_wait3A_142, %dma_wait3A_143] : memref<6x1000x8xf32, #tpu.memory_space<vmem>> -> memref<1x1000x8xf32, #tpu.memory_space<vmem>>
    %dma_wait3A_145 = tpu.memref_squeeze %dma_wait3A_144 : memref<1x1000x8xf32, #tpu.memory_space<vmem>> -> memref<1000x8xf32, #tpu.memory_space<vmem>>
    tpu.wait_dma2 semaphore(%dma_wait3A_138 : memref<!tpu.dma_semaphore, #tpu.memory_space<semaphore_mem>>) src(%dma_wait3A_145 : memref<1000x8xf32, #tpu.memory_space<vmem>>) dst(%dma_wait3A_141 : memref<1000x8xf32, #tpu.memory_space<vmem_shared>>)
    %dma_wait3A_146 = arith.constant 1 : i32
    %dma_wait3A_147 = arith.constant 1 : i32
    %dma_wait3A_148 = arith.constant 0 : i32
    %dma_wait3A_149 = arith.constant 0 : i32
    %dma_wait3A_150 = tpu.memref_slice %arg8[%dma_wait3A_146, %dma_wait3A_148, %dma_wait3A_149] : memref<6x1000x8xf32, #tpu.memory_space<vmem>> -> memref<1x1000x8xf32, #tpu.memory_space<vmem>>
    %dma_wait3A_151 = tpu.memref_squeeze %dma_wait3A_150 : memref<1x1000x8xf32, #tpu.memory_space<vmem>> -> memref<1000x8xf32, #tpu.memory_space<vmem>>
    %dma_wait3A_152 = arith.constant 0 : i32
    %dma_wait3A_153 = arith.constant 0 : i32
    %dma_wait3A_154 = tpu.memref_slice %arg9[%dma_wait3A_152, %dma_wait3A_153] : memref<100000x8xf32, #tpu.memory_space<vmem_shared>> -> memref<1000x8xf32, #tpu.memory_space<vmem_shared>>
    %dma_wait3A_155 = tpu.memref_slice %arg11[%dma_wait3A_147] : memref<6x!tpu.dma_semaphore, #tpu.memory_space<semaphore_mem>> -> memref<1x!tpu.dma_semaphore, #tpu.memory_space<semaphore_mem>>
    %dma_wait3A_156 = tpu.memref_squeeze %dma_wait3A_155 : memref<1x!tpu.dma_semaphore, #tpu.memory_space<semaphore_mem>> -> memref<!tpu.dma_semaphore, #tpu.memory_space<semaphore_mem>>
    %dma_wait3A_157 = arith.constant 0 : i32
    %dma_wait3A_158 = arith.constant 0 : i32
    %dma_wait3A_159 = tpu.memref_slice %arg9[%dma_wait3A_157, %dma_wait3A_158] : memref<100000x8xf32, #tpu.memory_space<vmem_shared>> -> memref<1000x8xf32, #tpu.memory_space<vmem_shared>>
    %dma_wait3A_160 = arith.constant 0 : i32
    %dma_wait3A_161 = arith.constant 0 : i32
    %dma_wait3A_162 = tpu.memref_slice %arg8[%dma_wait3A_146, %dma_wait3A_160, %dma_wait3A_161] : memref<6x1000x8xf32, #tpu.memory_space<vmem>> -> memref<1x1000x8xf32, #tpu.memory_space<vmem>>
    %dma_wait3A_163 = tpu.memref_squeeze %dma_wait3A_162 : memref<1x1000x8xf32, #tpu.memory_space<vmem>> -> memref<1000x8xf32, #tpu.memory_space<vmem>>
    tpu.wait_dma2 semaphore(%dma_wait3A_156 : memref<!tpu.dma_semaphore, #tpu.memory_space<semaphore_mem>>) src(%dma_wait3A_163 : memref<1000x8xf32, #tpu.memory_space<vmem>>) dst(%dma_wait3A_159 : memref<1000x8xf32, #tpu.memory_space<vmem_shared>>)
    %dma_wait3A_164 = arith.constant 2 : i32
    %dma_wait3A_165 = arith.constant 2 : i32
    %dma_wait3A_166 = arith.constant 0 : i32
    %dma_wait3A_167 = arith.constant 0 : i32
    %dma_wait3A_168 = tpu.memref_slice %arg8[%dma_wait3A_164, %dma_wait3A_166, %dma_wait3A_167] : memref<6x1000x8xf32, #tpu.memory_space<vmem>> -> memref<1x1000x8xf32, #tpu.memory_space<vmem>>
    %dma_wait3A_169 = tpu.memref_squeeze %dma_wait3A_168 : memref<1x1000x8xf32, #tpu.memory_space<vmem>> -> memref<1000x8xf32, #tpu.memory_space<vmem>>
    %dma_wait3A_170 = arith.constant 0 : i32
    %dma_wait3A_171 = arith.constant 0 : i32
    %dma_wait3A_172 = tpu.memref_slice %arg9[%dma_wait3A_170, %dma_wait3A_171] : memref<100000x8xf32, #tpu.memory_space<vmem_shared>> -> memref<1000x8xf32, #tpu.memory_space<vmem_shared>>
    %dma_wait3A_173 = tpu.memref_slice %arg11[%dma_wait3A_165] : memref<6x!tpu.dma_semaphore, #tpu.memory_space<semaphore_mem>> -> memref<1x!tpu.dma_semaphore, #tpu.memory_space<semaphore_mem>>
    %dma_wait3A_174 = tpu.memref_squeeze %dma_wait3A_173 : memref<1x!tpu.dma_semaphore, #tpu.memory_space<semaphore_mem>> -> memref<!tpu.dma_semaphore, #tpu.memory_space<semaphore_mem>>
    %dma_wait3A_175 = arith.constant 0 : i32
    %dma_wait3A_176 = arith.constant 0 : i32
    %dma_wait3A_177 = tpu.memref_slice %arg9[%dma_wait3A_175, %dma_wait3A_176] : memref<100000x8xf32, #tpu.memory_space<vmem_shared>> -> memref<1000x8xf32, #tpu.memory_space<vmem_shared>>
    %dma_wait3A_178 = arith.constant 0 : i32
    %dma_wait3A_179 = arith.constant 0 : i32
    %dma_wait3A_180 = tpu.memref_slice %arg8[%dma_wait3A_164, %dma_wait3A_178, %dma_wait3A_179] : memref<6x1000x8xf32, #tpu.memory_space<vmem>> -> memref<1x1000x8xf32, #tpu.memory_space<vmem>>
    %dma_wait3A_181 = tpu.memref_squeeze %dma_wait3A_180 : memref<1x1000x8xf32, #tpu.memory_space<vmem>> -> memref<1000x8xf32, #tpu.memory_space<vmem>>
    tpu.wait_dma2 semaphore(%dma_wait3A_174 : memref<!tpu.dma_semaphore, #tpu.memory_space<semaphore_mem>>) src(%dma_wait3A_181 : memref<1000x8xf32, #tpu.memory_space<vmem>>) dst(%dma_wait3A_177 : memref<1000x8xf32, #tpu.memory_space<vmem_shared>>)
    %dma_wait3A_182 = arith.constant 3 : i32
    %dma_wait3A_183 = arith.constant 3 : i32
    %dma_wait3A_184 = arith.constant 0 : i32
    %dma_wait3A_185 = arith.constant 0 : i32
    %dma_wait3A_186 = tpu.memref_slice %arg8[%dma_wait3A_182, %dma_wait3A_184, %dma_wait3A_185] : memref<6x1000x8xf32, #tpu.memory_space<vmem>> -> memref<1x1000x8xf32, #tpu.memory_space<vmem>>
    %dma_wait3A_187 = tpu.memref_squeeze %dma_wait3A_186 : memref<1x1000x8xf32, #tpu.memory_space<vmem>> -> memref<1000x8xf32, #tpu.memory_space<vmem>>
    %dma_wait3A_188 = arith.constant 0 : i32
    %dma_wait3A_189 = arith.constant 0 : i32
    %dma_wait3A_190 = tpu.memref_slice %arg9[%dma_wait3A_188, %dma_wait3A_189] : memref<100000x8xf32, #tpu.memory_space<vmem_shared>> -> memref<1000x8xf32, #tpu.memory_space<vmem_shared>>
    %dma_wait3A_191 = tpu.memref_slice %arg11[%dma_wait3A_183] : memref<6x!tpu.dma_semaphore, #tpu.memory_space<semaphore_mem>> -> memref<1x!tpu.dma_semaphore, #tpu.memory_space<semaphore_mem>>
    %dma_wait3A_192 = tpu.memref_squeeze %dma_wait3A_191 : memref<1x!tpu.dma_semaphore, #tpu.memory_space<semaphore_mem>> -> memref<!tpu.dma_semaphore, #tpu.memory_space<semaphore_mem>>
    %dma_wait3A_193 = arith.constant 0 : i32
    %dma_wait3A_194 = arith.constant 0 : i32
    %dma_wait3A_195 = tpu.memref_slice %arg9[%dma_wait3A_193, %dma_wait3A_194] : memref<100000x8xf32, #tpu.memory_space<vmem_shared>> -> memref<1000x8xf32, #tpu.memory_space<vmem_shared>>
    %dma_wait3A_196 = arith.constant 0 : i32
    %dma_wait3A_197 = arith.constant 0 : i32
    %dma_wait3A_198 = tpu.memref_slice %arg8[%dma_wait3A_182, %dma_wait3A_196, %dma_wait3A_197] : memref<6x1000x8xf32, #tpu.memory_space<vmem>> -> memref<1x1000x8xf32, #tpu.memory_space<vmem>>
    %dma_wait3A_199 = tpu.memref_squeeze %dma_wait3A_198 : memref<1x1000x8xf32, #tpu.memory_space<vmem>> -> memref<1000x8xf32, #tpu.memory_space<vmem>>
    tpu.wait_dma2 semaphore(%dma_wait3A_192 : memref<!tpu.dma_semaphore, #tpu.memory_space<semaphore_mem>>) src(%dma_wait3A_199 : memref<1000x8xf32, #tpu.memory_space<vmem>>) dst(%dma_wait3A_195 : memref<1000x8xf32, #tpu.memory_space<vmem_shared>>)
    %barrier3A_200 = arith.constant 0 : index
    tpu.barrier barrier_id(%barrier3A_200)
    "tpu.region"() ({
      %run_scoped3A = tpu.sem_alloc : memref<!tpu.dma_semaphore, #tpu.memory_space<semaphore_mem>>
      %dma_start3A_206 = arith.constant 0 : i32
      %dma_start3A_207 = tpu.memref_slice %arg5[%arg0, %mul3A_0, %dma_start3A_206] : memref<2x100000x8xf32, #tpu.memory_space<hbm>> -> memref<1x6248x8xf32, #tpu.memory_space<hbm>>
      %dma_start3A_208 = tpu.memref_squeeze %dma_start3A_207 : memref<1x6248x8xf32, #tpu.memory_space<hbm>> -> memref<6248x8xf32, #tpu.memory_space<hbm>>
      %dma_start3A_209 = arith.constant 0 : i32
      %dma_start3A_210 = tpu.memref_slice %arg9[%mul3A_0, %dma_start3A_209] : memref<100000x8xf32, #tpu.memory_space<vmem_shared>> -> memref<6248x8xf32, #tpu.memory_space<vmem_shared>>
      tpu.enqueue_dma source(%dma_start3A_210 : memref<6248x8xf32, #tpu.memory_space<vmem_shared>>) target(%dma_start3A_208 : memref<6248x8xf32, #tpu.memory_space<hbm>>) target_semaphore(%run_scoped3A : memref<!tpu.dma_semaphore, #tpu.memory_space<semaphore_mem>>)
      %dma_wait3A_211 = arith.constant 0 : i32
      %dma_wait3A_212 = tpu.memref_slice %arg5[%arg0, %mul3A_0, %dma_wait3A_211] : memref<2x100000x8xf32, #tpu.memory_space<hbm>> -> memref<1x6248x8xf32, #tpu.memory_space<hbm>>
      %dma_wait3A_213 = tpu.memref_squeeze %dma_wait3A_212 : memref<1x6248x8xf32, #tpu.memory_space<hbm>> -> memref<6248x8xf32, #tpu.memory_space<hbm>>
      %dma_wait3A_214 = arith.constant 0 : i32
      %dma_wait3A_215 = tpu.memref_slice %arg9[%mul3A_0, %dma_wait3A_214] : memref<100000x8xf32, #tpu.memory_space<vmem_shared>> -> memref<6248x8xf32, #tpu.memory_space<vmem_shared>>
      tpu.wait_dma2 semaphore(%run_scoped3A : memref<!tpu.dma_semaphore, #tpu.memory_space<semaphore_mem>>) src(%dma_wait3A_215 : memref<6248x8xf32, #tpu.memory_space<vmem_shared>>) dst(%dma_wait3A_213 : memref<6248x8xf32, #tpu.memory_space<hbm>>)
      tpu.yield
    }) : () -> ()
    %eq3A_201 = arith.constant 15 : i32
    %eq3A_202 = arith.cmpi eq, %arg1, %eq3A_201 : i32
    %convert_element_type3A_203 = arith.extui %eq3A_202 : i1 to i32
    %cond3A_204 = arith.constant 0 : i32
    %cond3A_205 = arith.cmpi ne, %convert_element_type3A_203, %cond3A_204 : i32
    scf.if %cond3A_205 {
      "tpu.region"() ({
        %run_scoped3A = tpu.sem_alloc : memref<!tpu.dma_semaphore, #tpu.memory_space<semaphore_mem>>
        %dma_start3A_206 = arith.constant 99968 : i32
        %dma_start3A_207 = arith.constant 0 : i32
        %dma_start3A_208 = tpu.memref_slice %arg5[%arg0, %dma_start3A_206, %dma_start3A_207] : memref<2x100000x8xf32, #tpu.memory_space<hbm>> -> memref<1x32x8xf32, #tpu.memory_space<hbm>>
        %dma_start3A_209 = tpu.memref_squeeze %dma_start3A_208 : memref<1x32x8xf32, #tpu.memory_space<hbm>> -> memref<32x8xf32, #tpu.memory_space<hbm>>
        %dma_start3A_210 = arith.constant 99968 : i32
        %dma_start3A_211 = arith.constant 0 : i32
        %dma_start3A_212 = tpu.memref_slice %arg9[%dma_start3A_210, %dma_start3A_211] : memref<100000x8xf32, #tpu.memory_space<vmem_shared>> -> memref<32x8xf32, #tpu.memory_space<vmem_shared>>
        tpu.enqueue_dma source(%dma_start3A_212 : memref<32x8xf32, #tpu.memory_space<vmem_shared>>) target(%dma_start3A_209 : memref<32x8xf32, #tpu.memory_space<hbm>>) target_semaphore(%run_scoped3A : memref<!tpu.dma_semaphore, #tpu.memory_space<semaphore_mem>>)
        %dma_wait3A_213 = arith.constant 99968 : i32
        %dma_wait3A_214 = arith.constant 0 : i32
        %dma_wait3A_215 = tpu.memref_slice %arg5[%arg0, %dma_wait3A_213, %dma_wait3A_214] : memref<2x100000x8xf32, #tpu.memory_space<hbm>> -> memref<1x32x8xf32, #tpu.memory_space<hbm>>
        %dma_wait3A_216 = tpu.memref_squeeze %dma_wait3A_215 : memref<1x32x8xf32, #tpu.memory_space<hbm>> -> memref<32x8xf32, #tpu.memory_space<hbm>>
        %dma_wait3A_217 = arith.constant 99968 : i32
        %dma_wait3A_218 = arith.constant 0 : i32
        %dma_wait3A_219 = tpu.memref_slice %arg9[%dma_wait3A_217, %dma_wait3A_218] : memref<100000x8xf32, #tpu.memory_space<vmem_shared>> -> memref<32x8xf32, #tpu.memory_space<vmem_shared>>
        tpu.wait_dma2 semaphore(%run_scoped3A : memref<!tpu.dma_semaphore, #tpu.memory_space<semaphore_mem>>) src(%dma_wait3A_219 : memref<32x8xf32, #tpu.memory_space<vmem_shared>>) dst(%dma_wait3A_216 : memref<32x8xf32, #tpu.memory_space<hbm>>)
        tpu.yield
      }) : () -> ()
    } else {
    }
    return
  }
}

module attributes {stable_mosaic.version = 14 : i64} {
  func.func @_tc1_body(%arg0: i32, %arg1: memref<2x4000x16xf32, #tpu.memory_space<vmem>>, %arg2: memref<16x64xf32, #tpu.memory_space<vmem>>, %arg3: memref<1x64xf32, #tpu.memory_space<vmem>>, %arg4: memref<64x64xf32, #tpu.memory_space<vmem>>, %arg5: memref<1x64xf32, #tpu.memory_space<vmem>>, %arg6: memref<64x8xf32, #tpu.memory_space<vmem>>, %arg7: memref<1x64xf32, #tpu.memory_space<vmem>>, %arg8: memref<1x64xf32, #tpu.memory_space<vmem>>, %arg9: memref<1x64xf32, #tpu.memory_space<vmem>>, %arg10: memref<1x64xf32, #tpu.memory_space<vmem>>, %arg11: memref<4000x8xf32, #tpu.memory_space<vmem>>) attributes {dimension_semantics = [#tpu.dimension_semantics<arbitrary>], iteration_bounds = array<i64: 25>, scalar_prefetch = 0 : i64, scratch_operands = 0 : i64, tpu.core_type = #tpu.core_type<tc>, window_params = [{transform_indices = @transform_0, window_bounds = array<i64: 2, 4000, 16>}, {pipeline_mode = #tpu.pipeline_mode<synchronous>, transform_indices = @transform_1, window_bounds = array<i64: 16, 64>}, {pipeline_mode = #tpu.pipeline_mode<synchronous>, transform_indices = @transform_2, window_bounds = array<i64: 1, 64>}, {pipeline_mode = #tpu.pipeline_mode<synchronous>, transform_indices = @transform_3, window_bounds = array<i64: 64, 64>}, {pipeline_mode = #tpu.pipeline_mode<synchronous>, transform_indices = @transform_4, window_bounds = array<i64: 1, 64>}, {pipeline_mode = #tpu.pipeline_mode<synchronous>, transform_indices = @transform_5, window_bounds = array<i64: 64, 8>}, {pipeline_mode = #tpu.pipeline_mode<synchronous>, transform_indices = @transform_6, window_bounds = array<i64: 1, 64>}, {pipeline_mode = #tpu.pipeline_mode<synchronous>, transform_indices = @transform_7, window_bounds = array<i64: 1, 64>}, {pipeline_mode = #tpu.pipeline_mode<synchronous>, transform_indices = @transform_8, window_bounds = array<i64: 1, 64>}, {pipeline_mode = #tpu.pipeline_mode<synchronous>, transform_indices = @transform_9, window_bounds = array<i64: 1, 64>}, {transform_indices = @transform_10, window_bounds = array<i64: 4000, 8>}]} {
    %get3A = arith.constant 0 : index
    %get3A_0 = arith.constant 0 : index
    %get3A_1 = arith.constant 0 : index
    %get3A_2 = vector.load %arg1[%get3A, %get3A_0, %get3A_1] : memref<2x4000x16xf32, #tpu.memory_space<vmem>>, vector<1x4000x16xf32>
    %get3A_3 = vector.shape_cast %get3A_2 : vector<1x4000x16xf32> to vector<4000x16xf32>
    %get3A_4 = arith.constant 1 : index
    %get3A_5 = arith.constant 0 : index
    %get3A_6 = arith.constant 0 : index
    %get3A_7 = vector.load %arg1[%get3A_4, %get3A_5, %get3A_6] : memref<2x4000x16xf32, #tpu.memory_space<vmem>>, vector<1x4000x16xf32>
    %get3A_8 = vector.shape_cast %get3A_7 : vector<1x4000x16xf32> to vector<4000x16xf32>
    %add3A = arith.addf %get3A_3, %get3A_8 : vector<4000x16xf32>
    %get3A_9 = arith.constant 0 : index
    %get3A_10 = arith.constant 0 : index
    %get3A_11 = vector.load %arg2[%get3A_9, %get3A_10] : memref<16x64xf32, #tpu.memory_space<vmem>>, vector<16x64xf32>
    %dot_general3A = arith.constant dense<0.000000e+00> : vector<4000x64xf32>
    %dot_general3A_12 = tpu.matmul %add3A, %get3A_11, %dot_general3A {dimension_numbers = #tpu.dot_dimension_numbers<[1], [0], [0], [1], [0, 0, 1, 1], [], []>, transpose_lhs_hint = false} : vector<4000x16xf32>, vector<16x64xf32>, vector<4000x64xf32> -> vector<4000x64xf32>
    %get3A_13 = arith.constant 0 : index
    %get3A_14 = arith.constant 0 : index
    %get3A_15 = vector.load %arg3[%get3A_13, %get3A_14] : memref<1x64xf32, #tpu.memory_space<vmem>>, vector<1x64xf32>
    %add3A_16 = vector.broadcast %get3A_15 : vector<1x64xf32> to vector<4000x64xf32>
    %add3A_17 = arith.addf %dot_general3A_12, %add3A_16 : vector<4000x64xf32>
    %max3A = arith.constant 0.000000e+00 : f32
    %max3A_18 = vector.broadcast %max3A : f32 to vector<4000x64xf32>
    %max3A_19 = arith.maximumf %add3A_17, %max3A_18 : vector<4000x64xf32>
    %get3A_20 = arith.constant 0 : index
    %get3A_21 = arith.constant 0 : index
    %get3A_22 = vector.load %arg4[%get3A_20, %get3A_21] : memref<64x64xf32, #tpu.memory_space<vmem>>, vector<64x64xf32>
    %dot_general3A_23 = arith.constant dense<0.000000e+00> : vector<4000x64xf32>
    %dot_general3A_24 = tpu.matmul %max3A_19, %get3A_22, %dot_general3A_23 {dimension_numbers = #tpu.dot_dimension_numbers<[1], [0], [0], [1], [0, 0, 1, 1], [], []>, transpose_lhs_hint = false} : vector<4000x64xf32>, vector<64x64xf32>, vector<4000x64xf32> -> vector<4000x64xf32>
    %get3A_25 = arith.constant 0 : index
    %get3A_26 = arith.constant 0 : index
    %get3A_27 = vector.load %arg5[%get3A_25, %get3A_26] : memref<1x64xf32, #tpu.memory_space<vmem>>, vector<1x64xf32>
    %add3A_28 = vector.broadcast %get3A_27 : vector<1x64xf32> to vector<4000x64xf32>
    %add3A_29 = arith.addf %dot_general3A_24, %add3A_28 : vector<4000x64xf32>
    %get3A_30 = arith.constant 0 : index
    %get3A_31 = arith.constant 0 : index
    %get3A_32 = vector.load %arg7[%get3A_30, %get3A_31] : memref<1x64xf32, #tpu.memory_space<vmem>>, vector<1x64xf32>
    %get3A_33 = arith.constant 0 : index
    %get3A_34 = arith.constant 0 : index
    %get3A_35 = vector.load %arg10[%get3A_33, %get3A_34] : memref<1x64xf32, #tpu.memory_space<vmem>>, vector<1x64xf32>
    %add3A_36 = arith.constant 9.99999974E-6 : f32
    %add3A_37 = vector.broadcast %add3A_36 : f32 to vector<1x64xf32>
    %add3A_38 = arith.addf %get3A_35, %add3A_37 : vector<1x64xf32>
    %rsqrt3A = math.rsqrt %add3A_38 : vector<1x64xf32>
    %mul3A = arith.mulf %get3A_32, %rsqrt3A : vector<1x64xf32>
    %get3A_39 = arith.constant 0 : index
    %get3A_40 = arith.constant 0 : index
    %get3A_41 = vector.load %arg9[%get3A_39, %get3A_40] : memref<1x64xf32, #tpu.memory_space<vmem>>, vector<1x64xf32>
    %sub3A = vector.broadcast %get3A_41 : vector<1x64xf32> to vector<4000x64xf32>
    %sub3A_42 = arith.subf %add3A_29, %sub3A : vector<4000x64xf32>
    %mul3A_43 = vector.broadcast %mul3A : vector<1x64xf32> to vector<4000x64xf32>
    %mul3A_44 = arith.mulf %sub3A_42, %mul3A_43 : vector<4000x64xf32>
    %get3A_45 = arith.constant 0 : index
    %get3A_46 = arith.constant 0 : index
    %get3A_47 = vector.load %arg8[%get3A_45, %get3A_46] : memref<1x64xf32, #tpu.memory_space<vmem>>, vector<1x64xf32>
    %add3A_48 = vector.broadcast %get3A_47 : vector<1x64xf32> to vector<4000x64xf32>
    %add3A_49 = arith.addf %mul3A_44, %add3A_48 : vector<4000x64xf32>
    %max3A_50 = arith.constant 0.000000e+00 : f32
    %max3A_51 = vector.broadcast %max3A_50 : f32 to vector<4000x64xf32>
    %max3A_52 = arith.maximumf %add3A_49, %max3A_51 : vector<4000x64xf32>
    %get3A_53 = arith.constant 0 : index
    %get3A_54 = arith.constant 0 : index
    %get3A_55 = vector.load %arg6[%get3A_53, %get3A_54] : memref<64x8xf32, #tpu.memory_space<vmem>>, vector<64x8xf32>
    %dot_general3A_56 = arith.constant dense<0.000000e+00> : vector<4000x8xf32>
    %dot_general3A_57 = tpu.matmul %max3A_52, %get3A_55, %dot_general3A_56 {dimension_numbers = #tpu.dot_dimension_numbers<[1], [0], [0], [1], [0, 0, 1, 1], [], []>, transpose_lhs_hint = false} : vector<4000x64xf32>, vector<64x8xf32>, vector<4000x8xf32> -> vector<4000x8xf32>
    %swap3A = arith.constant 0 : index
    %swap3A_58 = arith.constant 0 : index
    %swap3A_59 = vector.load %arg11[%swap3A, %swap3A_58] : memref<4000x8xf32, #tpu.memory_space<vmem>>, vector<4000x8xf32>
    tpu.vector_store %arg11[%swap3A, %swap3A_58], %dot_general3A_57 {strides = array<i32>} : memref<4000x8xf32, #tpu.memory_space<vmem>>, vector<4000x8xf32>,
    return
  }
  func.func @transform_0(%arg0: i32) -> (i32, i32, i32) {
    %c0_i32 = arith.constant 0 : i32
    %c0_i32_0 = arith.constant 0 : i32
    %c0_i32_1 = arith.constant 0 : i32
    return %c0_i32, %arg0, %c0_i32_0 : i32, i32, i32
  }
  func.func @transform_1(%arg0: i32) -> (i32, i32) {
    %c0_i32 = arith.constant 0 : i32
    %c0_i32_0 = arith.constant 0 : i32
    %c0_i32_1 = arith.constant 0 : i32
    return %c0_i32, %c0_i32_0 : i32, i32
  }
  func.func @transform_2(%arg0: i32) -> (i32, i32) {
    %c0_i32 = arith.constant 0 : i32
    %c0_i32_0 = arith.constant 0 : i32
    %c0_i32_1 = arith.constant 0 : i32
    return %c0_i32, %c0_i32_0 : i32, i32
  }
  func.func @transform_3(%arg0: i32) -> (i32, i32) {
    %c0_i32 = arith.constant 0 : i32
    %c0_i32_0 = arith.constant 0 : i32
    %c0_i32_1 = arith.constant 0 : i32
    return %c0_i32, %c0_i32_0 : i32, i32
  }
  func.func @transform_4(%arg0: i32) -> (i32, i32) {
    %c0_i32 = arith.constant 0 : i32
    %c0_i32_0 = arith.constant 0 : i32
    %c0_i32_1 = arith.constant 0 : i32
    return %c0_i32, %c0_i32_0 : i32, i32
  }
  func.func @transform_5(%arg0: i32) -> (i32, i32) {
    %c0_i32 = arith.constant 0 : i32
    %c0_i32_0 = arith.constant 0 : i32
    %c0_i32_1 = arith.constant 0 : i32
    return %c0_i32, %c0_i32_0 : i32, i32
  }
  func.func @transform_6(%arg0: i32) -> (i32, i32) {
    %c0_i32 = arith.constant 0 : i32
    %c0_i32_0 = arith.constant 0 : i32
    %c0_i32_1 = arith.constant 0 : i32
    return %c0_i32, %c0_i32_0 : i32, i32
  }
  func.func @transform_7(%arg0: i32) -> (i32, i32) {
    %c0_i32 = arith.constant 0 : i32
    %c0_i32_0 = arith.constant 0 : i32
    %c0_i32_1 = arith.constant 0 : i32
    return %c0_i32, %c0_i32_0 : i32, i32
  }
  func.func @transform_8(%arg0: i32) -> (i32, i32) {
    %c0_i32 = arith.constant 0 : i32
    %c0_i32_0 = arith.constant 0 : i32
    %c0_i32_1 = arith.constant 0 : i32
    return %c0_i32, %c0_i32_0 : i32, i32
  }
  func.func @transform_9(%arg0: i32) -> (i32, i32) {
    %c0_i32 = arith.constant 0 : i32
    %c0_i32_0 = arith.constant 0 : i32
    %c0_i32_1 = arith.constant 0 : i32
    return %c0_i32, %c0_i32_0 : i32, i32
  }
  func.func @transform_10(%arg0: i32) -> (i32, i32) {
    %c0_i32 = arith.constant 0 : i32
    %c0_i32_0 = arith.constant 0 : i32
    return %arg0, %c0_i32 : i32, i32
  }
}

module attributes {stable_mosaic.version = 14 : i64} {
  func.func @_tc2_body(%arg0: i32, %arg1: memref<2x4000x8xf32, #tpu.memory_space<vmem>>, %arg2: memref<1x1x4000xi32, #tpu.memory_space<vmem>>, %arg3: memref<1x8xf32, #tpu.memory_space<vmem>>, %arg4: memref<8x8xf32, #tpu.memory_space<vmem>>, %arg5: memref<1x8xf32, #tpu.memory_space<vmem>>, %arg6: memref<1x8xf32, #tpu.memory_space<vmem>>, %arg7: memref<1x8xf32, #tpu.memory_space<vmem>>, %arg8: memref<1x8xf32, #tpu.memory_space<vmem>>, %arg9: memref<1x8xf32, #tpu.memory_space<vmem>>, %arg10: memref<128x8xf32, #tpu.memory_space<vmem>>, %arg11: memref<128x8xf32, #tpu.memory_space<vmem>>, %arg12: memref<128x1xf32, #tpu.memory_space<vmem>>) attributes {dimension_semantics = [#tpu.dimension_semantics<arbitrary>], iteration_bounds = array<i64: 25>, scalar_prefetch = 0 : i64, scratch_operands = 2 : i64, tpu.core_type = #tpu.core_type<tc>, window_params = [{transform_indices = @transform_0, window_bounds = array<i64: 2, 4000, 8>}, {transform_indices = @transform_1, window_bounds = array<i64: 1, 1, 4000>}, {pipeline_mode = #tpu.pipeline_mode<synchronous>, transform_indices = @transform_2, window_bounds = array<i64: 1, 8>}, {pipeline_mode = #tpu.pipeline_mode<synchronous>, transform_indices = @transform_3, window_bounds = array<i64: 8, 8>}, {pipeline_mode = #tpu.pipeline_mode<synchronous>, transform_indices = @transform_4, window_bounds = array<i64: 1, 8>}, {pipeline_mode = #tpu.pipeline_mode<synchronous>, transform_indices = @transform_5, window_bounds = array<i64: 1, 8>}, {pipeline_mode = #tpu.pipeline_mode<synchronous>, transform_indices = @transform_6, window_bounds = array<i64: 1, 8>}, {pipeline_mode = #tpu.pipeline_mode<synchronous>, transform_indices = @transform_7, window_bounds = array<i64: 1, 8>}, {pipeline_mode = #tpu.pipeline_mode<synchronous>, transform_indices = @transform_8, window_bounds = array<i64: 1, 8>}, {pipeline_mode = #tpu.pipeline_mode<synchronous>, transform_indices = @transform_9, window_bounds = array<i64: 128, 8>}]} {
    %eq3A = arith.constant 0 : i32
    %eq3A_0 = arith.cmpi eq, %arg0, %eq3A : i32
    %convert_element_type3A = arith.extui %eq3A_0 : i1 to i32
    %cond3A = arith.constant 0 : i32
    %cond3A_1 = arith.cmpi ne, %convert_element_type3A, %cond3A : i32
    scf.if %cond3A_1 {
      %broadcast_in_dim3A_80 = arith.constant 0.000000e+00 : f32
      %broadcast_in_dim3A_81 = vector.broadcast %broadcast_in_dim3A_80 : f32 to vector<128x8xf32>
      %swap3A_82 = arith.constant 0 : index
      %swap3A_83 = arith.constant 0 : index
      %swap3A_84 = vector.load %arg11[%swap3A_82, %swap3A_83] : memref<128x8xf32, #tpu.memory_space<vmem>>, vector<128x8xf32>
      tpu.vector_store %arg11[%swap3A_82, %swap3A_83], %broadcast_in_dim3A_81 {strides = array<i32>} : memref<128x8xf32, #tpu.memory_space<vmem>>, vector<128x8xf32>,
      %broadcast_in_dim3A_85 = arith.constant 0.000000e+00 : f32
      %broadcast_in_dim3A_86 = vector.broadcast %broadcast_in_dim3A_85 : f32 to vector<128x1xf32>
      %swap3A_87 = arith.constant 0 : index
      %swap3A_88 = arith.constant 0 : index
      %swap3A_89 = vector.load %arg12[%swap3A_87, %swap3A_88] : memref<128x1xf32, #tpu.memory_space<vmem>>, vector<128x1xf32>
      tpu.vector_store %arg12[%swap3A_87, %swap3A_88], %broadcast_in_dim3A_86 {strides = array<i32>} : memref<128x1xf32, #tpu.memory_space<vmem>>, vector<128x1xf32>,
    } else {
    }
    %get3A = arith.constant 0 : index
    %get3A_2 = arith.constant 0 : index
    %get3A_3 = arith.constant 0 : index
    %get3A_4 = vector.load %arg1[%get3A, %get3A_2, %get3A_3] : memref<2x4000x8xf32, #tpu.memory_space<vmem>>, vector<1x4000x8xf32>
    %get3A_5 = vector.shape_cast %get3A_4 : vector<1x4000x8xf32> to vector<4000x8xf32>
    %get3A_6 = arith.constant 1 : index
    %get3A_7 = arith.constant 0 : index
    %get3A_8 = arith.constant 0 : index
    %get3A_9 = vector.load %arg1[%get3A_6, %get3A_7, %get3A_8] : memref<2x4000x8xf32, #tpu.memory_space<vmem>>, vector<1x4000x8xf32>
    %get3A_10 = vector.shape_cast %get3A_9 : vector<1x4000x8xf32> to vector<4000x8xf32>
    %add3A = arith.addf %get3A_5, %get3A_10 : vector<4000x8xf32>
    %get3A_11 = arith.constant 0 : index
    %get3A_12 = arith.constant 0 : index
    %get3A_13 = vector.load %arg3[%get3A_11, %get3A_12] : memref<1x8xf32, #tpu.memory_space<vmem>>, vector<1x8xf32>
    %add3A_14 = vector.broadcast %get3A_13 : vector<1x8xf32> to vector<4000x8xf32>
    %add3A_15 = arith.addf %add3A, %add3A_14 : vector<4000x8xf32>
    %max3A = arith.constant 0.000000e+00 : f32
    %max3A_16 = vector.broadcast %max3A : f32 to vector<4000x8xf32>
    %max3A_17 = arith.maximumf %add3A_15, %max3A_16 : vector<4000x8xf32>
    %get3A_18 = arith.constant 0 : index
    %get3A_19 = arith.constant 0 : index
    %get3A_20 = vector.load %arg4[%get3A_18, %get3A_19] : memref<8x8xf32, #tpu.memory_space<vmem>>, vector<8x8xf32>
    %dot_general3A = arith.constant dense<0.000000e+00> : vector<4000x8xf32>
    %dot_general3A_21 = tpu.matmul %max3A_17, %get3A_20, %dot_general3A {dimension_numbers = #tpu.dot_dimension_numbers<[1], [0], [0], [1], [0, 0, 1, 1], [], []>, transpose_lhs_hint = false} : vector<4000x8xf32>, vector<8x8xf32>, vector<4000x8xf32> -> vector<4000x8xf32>
    %get3A_22 = arith.constant 0 : index
    %get3A_23 = arith.constant 0 : index
    %get3A_24 = vector.load %arg5[%get3A_22, %get3A_23] : memref<1x8xf32, #tpu.memory_space<vmem>>, vector<1x8xf32>
    %add3A_25 = vector.broadcast %get3A_24 : vector<1x8xf32> to vector<4000x8xf32>
    %add3A_26 = arith.addf %dot_general3A_21, %add3A_25 : vector<4000x8xf32>
    %get3A_27 = arith.constant 0 : index
    %get3A_28 = arith.constant 0 : index
    %get3A_29 = vector.load %arg6[%get3A_27, %get3A_28] : memref<1x8xf32, #tpu.memory_space<vmem>>, vector<1x8xf32>
    %get3A_30 = arith.constant 0 : index
    %get3A_31 = arith.constant 0 : index
    %get3A_32 = vector.load %arg9[%get3A_30, %get3A_31] : memref<1x8xf32, #tpu.memory_space<vmem>>, vector<1x8xf32>
    %add3A_33 = arith.constant 9.99999974E-6 : f32
    %add3A_34 = vector.broadcast %add3A_33 : f32 to vector<1x8xf32>
    %add3A_35 = arith.addf %get3A_32, %add3A_34 : vector<1x8xf32>
    %rsqrt3A = math.rsqrt %add3A_35 : vector<1x8xf32>
    %mul3A = arith.mulf %get3A_29, %rsqrt3A : vector<1x8xf32>
    %get3A_36 = arith.constant 0 : index
    %get3A_37 = arith.constant 0 : index
    %get3A_38 = vector.load %arg8[%get3A_36, %get3A_37] : memref<1x8xf32, #tpu.memory_space<vmem>>, vector<1x8xf32>
    %sub3A = vector.broadcast %get3A_38 : vector<1x8xf32> to vector<4000x8xf32>
    %sub3A_39 = arith.subf %add3A_26, %sub3A : vector<4000x8xf32>
    %mul3A_40 = vector.broadcast %mul3A : vector<1x8xf32> to vector<4000x8xf32>
    %mul3A_41 = arith.mulf %sub3A_39, %mul3A_40 : vector<4000x8xf32>
    %get3A_42 = arith.constant 0 : index
    %get3A_43 = arith.constant 0 : index
    %get3A_44 = vector.load %arg7[%get3A_42, %get3A_43] : memref<1x8xf32, #tpu.memory_space<vmem>>, vector<1x8xf32>
    %add3A_45 = vector.broadcast %get3A_44 : vector<1x8xf32> to vector<4000x8xf32>
    %add3A_46 = arith.addf %mul3A_41, %add3A_45 : vector<4000x8xf32>
    %max3A_47 = arith.constant 0.000000e+00 : f32
    %max3A_48 = vector.broadcast %max3A_47 : f32 to vector<4000x8xf32>
    %max3A_49 = arith.maximumf %add3A_46, %max3A_48 : vector<4000x8xf32>
    %get3A_50 = arith.constant 0 : index
    %get3A_51 = arith.constant 0 : index
    %get3A_52 = arith.constant 0 : index
    %get3A_53 = vector.load %arg2[%get3A_50, %get3A_51, %get3A_52] : memref<1x1x4000xi32, #tpu.memory_space<vmem>>, vector<1x1x4000xi32>
    %get3A_54 = vector.shape_cast %get3A_53 : vector<1x1x4000xi32> to vector<1x4000xi32>
    %iota3A = tpu.iota {dimensions = array<i32: 0>} : vector<128x4000xi32>
    %eq3A_55 = vector.broadcast %get3A_54 : vector<1x4000xi32> to vector<128x4000xi32>
    %eq3A_56 = arith.cmpi eq, %iota3A, %eq3A_55 : vector<128x4000xi32>
    %convert_element_type3A_57 = arith.extui %eq3A_56 : vector<128x4000xi1> to vector<128x4000xi32>
    %convert_element_type3A_58 = arith.sitofp %convert_element_type3A_57 : vector<128x4000xi32> to vector<128x4000xf32>
    %get3A_59 = arith.constant 0 : index
    %get3A_60 = arith.constant 0 : index
    %get3A_61 = vector.load %arg11[%get3A_59, %get3A_60] : memref<128x8xf32, #tpu.memory_space<vmem>>, vector<128x8xf32>
    %dot_general3A_62 = arith.constant dense<0.000000e+00> : vector<128x8xf32>
    %dot_general3A_63 = tpu.matmul %convert_element_type3A_58, %max3A_49, %dot_general3A_62 {dimension_numbers = #tpu.dot_dimension_numbers<[1], [0], [0], [1], [0, 0, 1, 1], [], []>, transpose_lhs_hint = false} : vector<128x4000xf32>, vector<4000x8xf32>, vector<128x8xf32> -> vector<128x8xf32>
    %add3A_64 = arith.addf %get3A_61, %dot_general3A_63 : vector<128x8xf32>
    %swap3A = arith.constant 0 : index
    %swap3A_65 = arith.constant 0 : index
    %swap3A_66 = vector.load %arg11[%swap3A, %swap3A_65] : memref<128x8xf32, #tpu.memory_space<vmem>>, vector<128x8xf32>
    tpu.vector_store %arg11[%swap3A, %swap3A_65], %add3A_64 {strides = array<i32>} : memref<128x8xf32, #tpu.memory_space<vmem>>, vector<128x8xf32>,
    %get3A_67 = arith.constant 0 : index
    %get3A_68 = arith.constant 0 : index
    %get3A_69 = vector.load %arg12[%get3A_67, %get3A_68] : memref<128x1xf32, #tpu.memory_space<vmem>>, vector<128x1xf32>
    %reduce_sum3A = arith.constant dense<0.000000e+00> : vector<128xf32>
    %reduce_sum3A_70 = vector.multi_reduction <add>, %convert_element_type3A_58, %reduce_sum3A [1] : vector<128x4000xf32> to vector<128xf32>
    %broadcast_in_dim3A = vector.shape_cast %reduce_sum3A_70 : vector<128xf32> to vector<128x1xf32>
    %add3A_71 = arith.addf %get3A_69, %broadcast_in_dim3A : vector<128x1xf32>
    %swap3A_72 = arith.constant 0 : index
    %swap3A_73 = arith.constant 0 : index
    %swap3A_74 = vector.load %arg12[%swap3A_72, %swap3A_73] : memref<128x1xf32, #tpu.memory_space<vmem>>, vector<128x1xf32>
    tpu.vector_store %arg12[%swap3A_72, %swap3A_73], %add3A_71 {strides = array<i32>} : memref<128x1xf32, #tpu.memory_space<vmem>>, vector<128x1xf32>,
    %eq3A_75 = arith.constant 24 : i32
    %eq3A_76 = arith.cmpi eq, %arg0, %eq3A_75 : i32
    %convert_element_type3A_77 = arith.extui %eq3A_76 : i1 to i32
    %cond3A_78 = arith.constant 0 : i32
    %cond3A_79 = arith.cmpi ne, %convert_element_type3A_77, %cond3A_78 : i32
    scf.if %cond3A_79 {
      %get3A_80 = arith.constant 0 : index
      %get3A_81 = arith.constant 0 : index
      %get3A_82 = vector.load %arg11[%get3A_80, %get3A_81] : memref<128x8xf32, #tpu.memory_space<vmem>>, vector<128x8xf32>
      %get3A_83 = arith.constant 0 : index
      %get3A_84 = arith.constant 0 : index
      %get3A_85 = vector.load %arg12[%get3A_83, %get3A_84] : memref<128x1xf32, #tpu.memory_space<vmem>>, vector<128x1xf32>
      %max3A_86 = arith.constant 1.000000e+00 : f32
      %max3A_87 = vector.broadcast %max3A_86 : f32 to vector<128x1xf32>
      %max3A_88 = arith.maximumf %get3A_85, %max3A_87 : vector<128x1xf32>
      %div3A = vector.broadcast %max3A_88 : vector<128x1xf32> to vector<128x8xf32>
      %div3A_89 = arith.divf %get3A_82, %div3A : vector<128x8xf32>
      %swap3A_90 = arith.constant 0 : index
      %swap3A_91 = arith.constant 0 : index
      %swap3A_92 = vector.load %arg10[%swap3A_90, %swap3A_91] : memref<128x8xf32, #tpu.memory_space<vmem>>, vector<128x8xf32>
      tpu.vector_store %arg10[%swap3A_90, %swap3A_91], %div3A_89 {strides = array<i32>} : memref<128x8xf32, #tpu.memory_space<vmem>>, vector<128x8xf32>,
    } else {
    }
    return
  }
  func.func @transform_0(%arg0: i32) -> (i32, i32, i32) {
    %c0_i32 = arith.constant 0 : i32
    %c0_i32_0 = arith.constant 0 : i32
    %c0_i32_1 = arith.constant 0 : i32
    return %c0_i32, %arg0, %c0_i32_0 : i32, i32, i32
  }
  func.func @transform_1(%arg0: i32) -> (i32, i32, i32) {
    %c0_i32 = arith.constant 0 : i32
    %c0_i32_0 = arith.constant 0 : i32
    %c0_i32_1 = arith.constant 0 : i32
    return %arg0, %c0_i32, %c0_i32_0 : i32, i32, i32
  }
  func.func @transform_2(%arg0: i32) -> (i32, i32) {
    %c0_i32 = arith.constant 0 : i32
    %c0_i32_0 = arith.constant 0 : i32
    %c0_i32_1 = arith.constant 0 : i32
    return %c0_i32, %c0_i32_0 : i32, i32
  }
  func.func @transform_3(%arg0: i32) -> (i32, i32) {
    %c0_i32 = arith.constant 0 : i32
    %c0_i32_0 = arith.constant 0 : i32
    %c0_i32_1 = arith.constant 0 : i32
    return %c0_i32, %c0_i32_0 : i32, i32
  }
  func.func @transform_4(%arg0: i32) -> (i32, i32) {
    %c0_i32 = arith.constant 0 : i32
    %c0_i32_0 = arith.constant 0 : i32
    %c0_i32_1 = arith.constant 0 : i32
    return %c0_i32, %c0_i32_0 : i32, i32
  }
  func.func @transform_5(%arg0: i32) -> (i32, i32) {
    %c0_i32 = arith.constant 0 : i32
    %c0_i32_0 = arith.constant 0 : i32
    %c0_i32_1 = arith.constant 0 : i32
    return %c0_i32, %c0_i32_0 : i32, i32
  }
  func.func @transform_6(%arg0: i32) -> (i32, i32) {
    %c0_i32 = arith.constant 0 : i32
    %c0_i32_0 = arith.constant 0 : i32
    %c0_i32_1 = arith.constant 0 : i32
    return %c0_i32, %c0_i32_0 : i32, i32
  }
  func.func @transform_7(%arg0: i32) -> (i32, i32) {
    %c0_i32 = arith.constant 0 : i32
    %c0_i32_0 = arith.constant 0 : i32
    %c0_i32_1 = arith.constant 0 : i32
    return %c0_i32, %c0_i32_0 : i32, i32
  }
  func.func @transform_8(%arg0: i32) -> (i32, i32) {
    %c0_i32 = arith.constant 0 : i32
    %c0_i32_0 = arith.constant 0 : i32
    %c0_i32_1 = arith.constant 0 : i32
    return %c0_i32, %c0_i32_0 : i32, i32
  }
  func.func @transform_9(%arg0: i32) -> (i32, i32) {
    %c0_i32 = arith.constant 0 : i32
    %c0_i32_0 = arith.constant 0 : i32
    %c0_i32_1 = arith.constant 0 : i32
    return %c0_i32, %c0_i32_0 : i32, i32
  }
}

</mosaic_0001>

<sc_bundles>
// kernel: kernel.6.cloned.1.call-start
scs
__scs_entry_jumppad:
0x0: {  	(pc) =	sbr.rel $0x88, $3  }
0x1: {  	(tag) =	ssettag $0x0;
	lr =	simm.s32 $0x1  }
0x2: {  	[smem:$0x3F8E] =	sst lr;
	_ =	strace $0xD0000000  }
0x3: {  	_ = 	snop  }
0x4: {  	_ = 	snop  }
0x5: {  	_ = 	snop  }
0x6: {  	_ = 	snop  }
0x7: {  	_ = 	snop  }
__scs_overlays_trampoline_lowered:
0x8: {  	[smem:$0x3F9D] =	sst s0  }
0x9: {  	[smem:$0x3F9E] =	sst s1  }
0xa: {  	[smem:$0x3F9F] =	sst s2  }
0xb: {  	[smem:$0x3FA0] =	sst s3  }
0xc: {  	[smem:$0x3FA1] =	sst s4  }
0xd: {  	[smem:$0x3FA2] =	sst s5  }
0xe: {  	[smem:$0x3FA3] =	sst s6  }
0xf: {  	[smem:$0x3FA4] =	sst s7  }
0x10: {  	[smem:$0x3FA5] =	sst s8  }
0x11: {  	[smem:$0x3FA6] =	sst s9;
	s0 =	simm.s32 @!p0 $0x0  }
0x12: {  	s1 =	sld [smem:$0x3F8C];
	s0 =	simm.s32 @p0 $0x1  }
0x13: {  	[smem:$0x3FA7] =	sst s0;
	s0 =	simm.s32 @!p1 $0x0  }
0x14: {  	s2 =	sld [smem:$0x3F8B];
	s0 =	simm.s32 @p1 $0x1  }
0x15: {  	[smem:$0x3FA8] =	sst s0;
	s0 =	simm.s32 @!p2 $0x0  }
0x16: {  	s3 =	sld [smem:$0x3FDB];
	s0 =	simm.s32 @p2 $0x1  }
0x17: {  	s4 =	simm.s32 $0x1BF5;
	[smem:$0x3FAA] =	sst s0  }
0x18: {  	s0 =	sld [smem:$0x3F8D];
	_ =	swait.ge [sflag:s4], $0x0  }
0x19: {  	s7 =	sld [smem:$0x3F8E]  }
0x1a: {  	s8 =	sadd.s32 $0xFFFFE003, lr  }
0x1b: {  	s9 =	sadd.s32 $0xFFFFFEF7, lr;
	s5 =	simm.s32 $0xFFFFFFFF;
	p2 =	slt.u32 s8, $0xFFFFF086  }
0x1c: {  	p1 =	slt.u32 s9, $0xF7A;
	s5 =	simm.s32 @!p2 $0x0  }
0x1d: {  	s5 =	simm.s32 @p1 $0x1;
	p0 =	seq.s32 s7, s2  }
0x1e: {  	s7 =	smul.u32 @!p0 $0xF7A, s2;
	p2 =	seq.s32 @!p0 s5, $0x0  }
0x1f: {  	s9 =	smul.u32 $0xF7A, s1;
	s8 =	simm.s32 @!p0 $0x1BF5;
	p2 =	por !p2, p0  }
0x20: {  	[sflag:s8] =	ssyncset.s32 @!p0 $0xFFFFF086;
	s6 =	sadd.s32 @!p0 s3, s7;
	s7 =	simm.s32 @!p0 $0x108  }
0x21: {  	s3 =	sadd.s32 s3, s9;
	s6 =	sadd.s32 @!p0 $0x88, s6;
	s7 =	simm.s32 @p2 $0x1082  }
0x22: {  	[simem:s7], [sflag:s8] =	dma.local @!p0 [hbm:s6], $0xF7A  }
0x23: {  	s9 =	sor.u32 $0xD0000000, s2;
	s6 =	simm.s32 $0x108;
	_ =	swait.ge @!p0 [sflag:s8], $0x0  }
0x24: {  	s3 =	sadd.s32 $0x88, s3;
	s6 =	simm.s32 @!p1 $0x1082;
	[sflag:s4] =	ssyncset.s32 $0xFFFFF086  }
0x25: {  	[simem:s6], [sflag:s4] =	dma.local [hbm:s3], $0xF7A  }
0x26: {  	[smem:$0x3F8E] =	sst s1;
	(tag) =	ssettag s2;
	_ =	strace s9  }
0x27: {  	s1 =	sld [smem:$0x3F9E]  }
0x28: {  	s2 =	sld [smem:$0x3F9F]  }
0x29: {  	s4 =	sld [smem:$0x3FA1]  }
0x2a: {  	p0 =	seq.s32 s5, $0x0;
	s5 =	sld [smem:$0x3FA2]  }
0x2b: {  	s6 =	sld [smem:$0x3FA3]  }
0x2c: {  	s7 =	sld [smem:$0x3FA4]  }
0x2d: {  	s3 =	simm.s32 $0x108;
	s8 =	sld [smem:$0x3FA5]  }
0x2e: {  	s3 =	simm.s32 @!p0 $0x1082;
	s9 =	sld [smem:$0x3FA6]  }
0x2f: {  	lr =	sadd.s32 s0, s3;
	s0 =	sld [smem:$0x3F9D]  }
0x30: {  	s3 =	sld [smem:$0x3FA0]  }
0x31: {  	[smem:$0x3FA9] =	sst s10  }
0x32: {  	s10 =	sld [smem:$0x3FA7];
	_ =	sdelay $0x3  }
0x33: {  	p0 =	seq.s32 s10, $0x1;
	s10 =	sld [smem:$0x3FA9];
	_ =	sdelay $0x3  }
0x34: {  	[smem:$0x3FA9] =	sst s10  }
0x35: {  	s10 =	sld [smem:$0x3FA8];
	_ =	sdelay $0x3  }
0x36: {  	p1 =	seq.s32 s10, $0x1;
	s10 =	sld [smem:$0x3FA9];
	_ =	sdelay $0x3  }
0x37: {  	[smem:$0x3FA9] =	sst s10  }
0x38: {  	s10 =	sld [smem:$0x3FAA]  }
0x39: {  	_ = 	snop;
	(pc) =	sbr.ind lr, $3  }
0x3a: {  	_ = 	snop  }
0x3b: {  	_ = 	snop  }
0x3c: {  	p2 =	seq.s32 s10, $0x1;
	s10 =	sld [smem:$0x3FA9]  }
0x3d: {  	_ =	shalt  }
0x3e: {  	_ =	shalt  }
0x3f: {  	_ =	shalt  }
0x40: {  	_ =	shalt  }
0x41: {  	_ =	shalt  }
0x42: {  	_ =	shalt  }
0x43: {  	_ =	shalt  }
0x44: {  	_ =	shalt  }
0x45: {  	_ =	shalt  }
0x46: {  	_ =	shalt  }
0x47: {  	_ =	shalt  }
0x48: {  	_ =	shalt  }
0x49: {  	_ =	shalt  }
0x4a: {  	_ =	shalt  }
0x4b: {  	_ =	shalt  }
0x4c: {  	_ =	shalt  }
0x4d: {  	_ =	shalt  }
0x4e: {  	_ =	shalt  }
0x4f: {  	_ =	shalt  }
0x50: {  	_ =	shalt  }
0x51: {  	_ =	shalt  }
0x52: {  	_ =	shalt  }
0x53: {  	_ =	shalt  }
0x54: {  	_ =	shalt  }
0x55: {  	_ =	shalt  }
0x56: {  	_ =	shalt  }
0x57: {  	_ =	shalt  }
0x58: {  	_ =	shalt  }
0x59: {  	_ =	shalt  }
0x5a: {  	_ =	shalt  }
0x5b: {  	_ =	shalt  }
0x5c: {  	_ =	shalt  }
0x5d: {  	_ =	shalt  }
0x5e: {  	_ =	shalt  }
0x5f: {  	_ =	shalt  }
0x60: {  	_ =	shalt  }
0x61: {  	_ =	shalt  }
0x62: {  	_ =	shalt  }
0x63: {  	_ =	shalt  }
0x64: {  	_ =	shalt  }
0x65: {  	_ =	shalt  }
0x66: {  	_ =	shalt  }
0x67: {  	_ =	shalt  }
0x68: {  	_ =	shalt  }
0x69: {  	_ =	shalt  }
0x6a: {  	_ =	shalt  }
0x6b: {  	_ =	shalt  }
0x6c: {  	_ =	shalt  }
0x6d: {  	_ =	shalt  }
0x6e: {  	_ =	shalt  }
0x6f: {  	_ =	shalt  }
0x70: {  	_ =	shalt  }
0x71: {  	_ =	shalt  }
0x72: {  	_ =	shalt  }
0x73: {  	_ =	shalt  }
0x74: {  	_ =	shalt  }
0x75: {  	_ =	shalt  }
0x76: {  	_ =	shalt  }
0x77: {  	_ =	shalt  }
0x78: {  	_ =	shalt  }
0x79: {  	_ =	shalt  }
0x7a: {  	_ =	shalt  }
0x7b: {  	_ =	shalt  }
0x7c: {  	_ =	shalt  }
0x7d: {  	_ =	shalt  }
0x7e: {  	_ =	shalt  }
0x7f: {  	_ =	shalt  }
0x80: {  	_ =	shalt  }
0x81: {  	_ =	shalt  }
0x82: {  	_ =	shalt  }
0x83: {  	_ =	shalt  }
0x84: {  	_ =	shalt  }
0x85: {  	_ =	shalt  }
0x86: {  	_ =	shalt  }
0x87: {  	_ =	shalt  }
.Lfunc_end0:
.L_simem_size_0:
called_computation_lowered:
.L_overlay_start_0:
0x88: {  	s2 =	sld [smem:$0x3FD9]  }
0x89: {  	s3 =	sld [smem:$0x3FFE];
	_ =	sdelay $0x1  }
0x8a: {  	s1 =	srdreg.scid  }
0x8b: {  	s0 =	sand.u32 $0x1, s1  }
0x8c: {  	s16 =	sshll.u32 s0, $0xA;
	s2 =	sadd.s32 s3, s2  }
0x8d: {  	s2 =	sadd.s32 s2, s16  }
0x8e: {  	[smem:$0x3FB5] =	sst s2  }
0x8f: {  	_ = 	snop  }
0x90: {  	(tm) =	ssettm $0x1  }
0x91: {  	s17 =	sld [smem:$0x3FFB];
	_ =	sdelay $0x3  }
0x92: {  	_ =	strace s17  }
0x93: {  	s2 =	sld [smem:$0x3FFC];
	_ =	sdelay $0x3  }
0x94: {  	_ =	strace s2  }
0x95: {  	s2 =	sld [smem:$0x3FFD];
	_ =	sdelay $0x3  }
0x96: {  	_ =	strace s2  }
0x97: {  	_ =	strace $0x8FFFFFFF  }
0x98: {  	s18 =	sld [smem:$0x3FDB];
	_ =	sdelay $0x1  }
0x99: {  	s19 =	simm.s32 $_scs_section_size  }
0x9a: {  	s4 =	simm.s32 $_size__tile_overlayer_lowered;
	s5 =	simm.s32 $_tile_overlayer_lowered  }
0x9b: {  	s22 =	simm.s32 $0x1BFF;
	s21 =	sshll.u32 s5, $0x1;
	s2 =	sadd.s32 s19, s18  }
0x9c: {  	s6 =	simm.s32 $0x0;
	s20 =	sshll.u32 s4, $0x1;
	s4 =	sadd.s32 s21, s2  }
0x9d: {  	[timem:s6], [sflag:s22] =	dma.local [hbm:s4], s20  }
0x9e: {  	_ =	swait.ge [sflag:s22], s20  }
0x9f: {  	s3 =	ssub.s32 $0x0, s20;
	[sflag:s22] =	ssyncset.done $0x0  }
0xa0: {  	[sflag:s22] =	ssyncadd.s32 s3;
	_ =	sdelay $0x1  }
0xa1: {  	s23 =	simm.s32 $0x1B8B  }
0xa2: {  	_ =	swait.ge [sflag:s23], $0x1  }
0xa3: {  	[sflag:s23] =	ssyncset.done $0x0  }
0xa4: {  	s25 =	simm.s32 $0x1B8E;
	s24 =	sld [smem:$0x3FFE];
	[sflag:s23] =	ssyncadd.s32 $0xFFFFFFFF  }
0xa5: {  	s26 =	simm.s32 $execute0_lowered;
	[smem:$0x3FD2] =	sst s25  }
0xa6: {  	s4 =	sshll.u32 s26, $0x1;
	_ =	strace $0x80000046;
	[dreg:$0x1] =	wrdreg $0xFFFFFFFF  }
0xa7: {  	s28 =	simm.s32 $_size_execute0_lowered;
	s2 =	sadd.s32 s2, s4;
	[dreg:$0x0] =	wrdreg $0x0  }
0xa8: {  	s4 =	sshll.u32 s28, $0x1;
	[dreg:$0x2] =	wrdreg s2  }
0xa9: {  	[dreg:$0x3] =	wrdreg s4  }
0xaa: {  	[dreg:$0x4] =	wrdreg $0xC0  }
0xab: {  	_ =	task [dreg:s6], $0x5FFFF  }
0xac: {  	[dreg:$0x1] =	wrdreg $0xFFFFFFFF  }
0xad: {  	[dreg:$0x0] =	wrdreg $0x60  }
0xae: {  	[dreg:$0x2] =	wrdreg s24  }
0xaf: {  	[dreg:$0x3] =	wrdreg $0x70800  }
0xb0: {  	[dreg:$0x4] =	wrdreg $0x9  }
0xb1: {  	_ =	task.clear_ibuf [dreg:s6], $0x5FFFF;
	_ =	strace $0x90000046  }
0xb2: {  	s29 =	simm.s32 $0x9;
	_ =	strace $0x80000048  }
0xb3: {  	_ =	swait.ge [sflag:s29], $0x1  }
0xb4: {  	[sflag:s29] =	ssyncadd.s32 $0xFFFFFFFF  }
0xb5: {  	_ =	strace $0x90000048  }
0xb6: {  	_ =	sfence  }
0xb7: {  	s30 =	sld [smem:$0x0];
	_ =	sdelay $0x2  }
0xb8: {  	s31 =	sshll.u32 s1, $0xD;
	s1 =	sshrl.u32 s1, $0x2  }
0xb9: {  	s3 =	sand.u32 $0x4000, s31;
	s1 =	sadd.s32 s1, s30  }
0xba: {  	s0 =	sor.u32 s3, s0;
	s1 =	sshll.u32 s1, $0x11  }
0xbb: {  	s0 =	sor.u32 s1, s0  }
0xbc: {  	s0 =	sadd.s32 $0x8F2B, s0  }
0xbd: {  	[sflag:s0] =	ssyncadd.remote.s32 $0x1  }
0xbe: {  	_ =	sfence.sel $0xFFFF  }
0xbf: {  	[dreg:$0x0] =	wrdreg $0xFFFFFFFF;
	(pc) =	sbr.abs _section_cstart, $3  }
0xc0: {  	[dreg:$0x1] =	wrdreg $0xFFFFFFFF  }
0xc1: {  	_ =	task.clear_ibuf [dreg:s6], $0x2FFFF;
	_ =	strace $0x9FFFFFFF  }
0xc2: {  	(tm) =	ssettm $0x7FFFFFFF  }
0xc3: {  	_ =	shalt  }
tec
execute0_lowered:
.L_overlay_start_1:
0x0: {  	(tag) =	ssettag $0x1  }
0x1: {  	s0 =	rddreg [dreg:$0x0]  }
0x2: {  	s1 =	rddreg [dreg:$0x1];
	s2 =	simm.s32 $0x0  }
0x3: {  	s5 =	srdreg.scid;
	s14 =	stileid.u32;
	s28 =	simm.s32 $0x7  }
0x4: {  	s29 =	simm.s32 $0x1;
	s30 =	simm.s32 $0x8;
	s31 =	simm.s32 $0x2  }
0x5: {  	[smem:$0x7FF] =	sst s2;
	s3 =	sadd.s32 $0x2C00, s0;
	s4 =	sadd.s32 $0x24CC00, s0  }
0x6: {  	s6 =	sadd.s32 $0xC6200, s0;
	s5 =	sand.u32 $0x1, s5;
	s9 =	smul.u32 $0x18680, s14  }
0x7: {  	s7 =	sadd.s32 $0xC9400, s0;
	s0 =	sadd.s32 $0x27D900, s0;
	s21 =	smul.u32 $0x186A0, s14  }
0x8: {  	s26 =	sshll.u32 s14, $0x6;
	p1 =	sne.s32 s14, $0xF;
	_ =	strace $0x80000047  }
0x9: {  	[dreg:$0x3] =	wrdreg s6;
	s12 =	ssub.s32 $0x2, s5;
	s10 =	sshll.u32 s5, $0x4  }
0xa: {  	p0 =	seq.s32 s5, $0x1;
	[dreg:$0x6] =	wrdreg s0;
	s5 =	smul.u32 $0x186A00, s5  }
0xb: {  	s8 =	sshrl.u32 s12, $0x1;
	s13 =	sor.u32 s14, s10;
	s15 =	sshrl.u32 s9, $0x3  }
0xc: {  	s16 =	sadd.s32 s9, s1;
	s11 =	ssub.s32 s12, s8;
	s12 =	smul.u32 $0x61A00, s14  }
0xd: {  	s10 =	smul.u32 $0x186A0, s13;
	[dreg:$0x4] =	wrdreg s16;
	s17 =	sadd.s32 s4, s15  }
0xe: {  	s8 =	sadd.s32 $0x186800, s1;
	s9 =	sadd.s32 s9, s5;
	s13 =	sshrl.u32 s5, $0x3  }
0xf: {  	s5 =	sadd.s32 s21, s5;
	s21 =	simm.s32 $0xD;
	[dreg:$0x5] =	wrdreg s17  }
0x10: {  	s9 =	sshrl.u32 s9, $0x3;
	s13 =	sadd.s32 s7, s13;
	s24 =	sadd.s32 $0x320, s5  }
0x11: {  	s25 =	smax.u32 s11, $0x1;
	s5 =	sadd.s32 $0x30D720, s5;
	s11 =	simm.s32 $0xC80  }
0x12: {  	s18 =	sshrl.u32 s12, $0x2;
	s10 =	sshrl.u32 s10, $0x3;
	s22 =	sadd.s32 s7, s9  }
0x13: {  	s23 =	sadd.s32 $0x30D00, s13;
	[dreg:$0xd] =	wrdreg s25;
	s7 =	sshrl.u32 s24, $0x3  }
0x14: {  	s5 =	sshrl.u32 s5, $0x3;
	s25 =	simm.s32 $0x9;
	s9 =	simm.s32 $0x6  }
0x15: {  	s0 =	sadd.s32 s18, s1;
	s19 =	sadd.s32 s3, s10;
	[dreg:$0xb] =	wrdreg s22  }
0x16: {  	[dreg:$0xc] =	wrdreg s23;
	s17 =	sadd.s32 s7, s3;
	s18 =	sadd.s32 s5, s3  }
0x17: {  	s23 =	simm.s32 $0x190;
	s10 =	sadd.s32 $0x61A80, s19;
	[dreg:$0x7] =	wrdreg s19  }
0x18: {  	s3 =	simm.s32 $0x5;
	s20 =	sadd.s32 $0x32, s19;
	[dreg:$0x8] =	wrdreg s10  }
0x19: {  	s7 =	simm.s32 $0x0;
	s6 =	sadd.s32 $0x61AB2, s19;
	[dreg:$0x9] =	wrdreg s20  }
0x1a: {  	s19 =	sor.u32 $0x1C0D, s26;
	s0 =	sshrl.u32 s0, $0x3;
	[dreg:$0xa] =	wrdreg s6  }
0x1b: {  	[dreg:$0xe] =	wrdreg s0;
	s6 =	simm.s32 $0x640;
	s10 =	simm.s32 $0x7D0  }
.LBB2_1:
.Ltmp0:
0x1c: {  	(pc) =	sbr.rel @!p0 .LBB2_2-.Ltmp0, $1  }
0x1d: {  	_ =	sdelay $0x3  }
0x1e: {  	s0 =	rddreg [dreg:$0x3]  }
.Ltmp1:
0x1f: {  	s5 =	rddreg [dreg:$0xe];
	(pc) =	sbr.rel @p1 .LBB2_7-.Ltmp1, $4  }
0x20: {  	[spmem:s5], [sflag:s19] =	dma.local [hbm:s0], $0x30D0  }
0x21: {  	_ =	swait.ge [sflag:s21], $0x30D0  }
0x22: {  	[sflag:s21] =	ssyncset.done $0x0  }
0x23: {  	[sflag:s21] =	ssyncadd.s32 $0xFFFFCF30  }
.Ltmp2:
0x24: {  	(pc) =	sbr.rel .LBB2_6-.Ltmp2, $3  }
0x25: {  	_ =	sdelay $0x1  }
0x26: {  	s0 =	sshrl.u32 s8, $0x3;
	s5 =	rddreg [dreg:$0x3]  }
0x27: {  	[spmem:s0], [sflag:s19] =	dma.local [hbm:s5], $0x40  }
.LBB2_2:
0x28: {  	s0 =	rddreg [dreg:$0x4]  }
.Ltmp3:
0x29: {  	s5 =	rddreg [dreg:$0x5];
	s0 =	sshrl.u32 s0, $0x3;
	(pc) =	sbr.rel @p1 .LBB2_7-.Ltmp3, $4  }
0x2a: {  	[spmem:s0], [sflag:s19] =	dma.local [hbm:s5], $0x30D0  }
0x2b: {  	_ =	swait.ge [sflag:s21], $0x30D0  }
0x2c: {  	[sflag:s21] =	ssyncset.done $0x0  }
0x2d: {  	[sflag:s21] =	ssyncadd.s32 $0xFFFFCF30  }
0x2e: {  	s0 =	sshrl.u32 s8, $0x3;
	s5 =	rddreg [dreg:$0x6]  }
0x2f: {  	[spmem:s0], [sflag:s19] =	dma.local [hbm:s5], $0x40  }
.LBB2_6:
0x30: {  	_ =	swait.ge [sflag:s21], $0x40  }
0x31: {  	[sflag:s21] =	ssyncset.done $0x0  }
0x32: {  	[sflag:s21] =	ssyncadd.s32 $0xFFFFFFC0  }
.LBB2_7:
0x33: {  	[bflag:$0x0] =	sbarrier.arrive $0xFFFF  }
0x34: {  	s0 =	simm.s32 $0x0;
	s5 =	rddreg [dreg:$0x7]  }
0x35: {  	[tilespmem:s0], [sflag:$0x9] =	stream.linear.gather [hbm4b:s5+s0], $0x190, $0x38;
	[tilespmem:$0x1F720] =	vst v63  }
0x36: {  	s16 =	rddreg [dreg:$0x8]  }
0x37: {  	[tilespmem:s6], [sflag:$0x9] =	stream.linear.gather [hbm4b:s16+s0], $0x190, $0x38;
	[tilespmem:$0x1F720] =	vst v63  }
0x38: {  	s20 =	rddreg [dreg:$0x9]  }
0x39: {  	[tilespmem:s23], [sflag:$0xA] =	stream.linear.gather [hbm4b:s20+s0], $0x190, $0x38;
	[tilespmem:$0x1F720] =	vst v63  }
0x3a: {  	s22 =	rddreg [dreg:$0xa]  }
0x3b: {  	[tilespmem:s10], [sflag:$0xA] =	stream.linear.gather [hbm4b:s22+s0], $0x190, $0x38;
	[tilespmem:$0x1F720] =	vst v63  }
0x3c: {  	_ =	swait.ge [sflag:s25], $0x190  }
0x3d: {  	[sflag:s25] =	ssyncset.done $0x0  }
0x3e: {  	[sflag:s25] =	ssyncadd.s32 $0xFFFFFE70  }
0x3f: {  	_ =	swait.ge [sflag:s25], $0x190  }
0x40: {  	[sflag:s25] =	ssyncset.done $0x0  }
0x41: {  	p2 =	por $0x1, $0x1;
	[sflag:s25] =	ssyncadd.s32 $0xFFFFFE70  }
0x42: {  	[tilespmem:s11], [sflag:$0x1] =	stream.indirect.gather [hbm4b:s4+s23], $0x10, s0, s23, $0xb8;
	[tilespmem:$0x1F720] =	vst v63  }
0x43: {  	s14 =	simm.s32 $0x1;
	p2 =	por p2, p2;
	s11 =	sand.u32 $0x3, s0  }
0x44: {  	s15 =	sand.u32 $0x3, s14;
	s0 =	sxor.u32 @!p2 $0x2, s11  }
0x45: {  	s24 =	simm.s32 $0x2;
	s12 =	smul.u32 $0x6400, s15;
	s0 =	sadd.s32 @!p2 $0x5, s0  }
0x46: {  	s13 =	sand.u32 $0x3, s24;
	s24 =	smul.u32 $0x640, s15;
	_ =	swait.ge @!p2 [sflag:s0], $0x1900  }
0x47: {  	s5 =	simm.s32 $0x2;
	s16 =	smul.u32 $0x190, s13;
	[sflag:s0] =	ssyncset.done @!p2 $0x0  }
0x48: {  	s26 =	sadd.s32 $0x9, s13;
	s24 =	sshrl.u32 s24, $0x2;
	[sflag:s0] =	ssyncadd.s32 @!p2 $0xFFFFE700  }
0x49: {  	[tilespmem:s16], [sflag:s26] =	stream.linear.gather [hbm4b:s17+s2], $0x190, $0x38;
	[tilespmem:$0x1F720] =	vst v63  }
0x4a: {  	s20 =	sand.u32 $0x3, s5;
	s6 =	sadd.s32 $0x640, s16;
	s10 =	sadd.s32 $0x9, s15  }
0x4b: {  	[tilespmem:s6], [sflag:s26] =	stream.linear.gather [hbm4b:s18+s2], $0x190, $0x38;
	[tilespmem:$0x1F720] =	vst v63  }
0x4c: {  	s13 =	smul.u32 $0x6400, s20;
	s22 =	sshrl.u32 s12, $0x2;
	_ =	swait.ge [sflag:s10], $0x190  }
0x4d: {  	s12 =	sadd.s32 $0x32, s18;
	s15 =	sadd.s32 $0x1, s15;
	[sflag:s10] =	ssyncset.done $0x0  }
0x4e: {  	s13 =	sshrl.u32 s13, $0x2;
	s22 =	sadd.s32 $0xC80, s22;
	[sflag:s10] =	ssyncadd.s32 $0xFFFFFE70  }
0x4f: {  	p2 =	por $0x1, $0x1;
	s0 =	smul.u32 $0x640, s20;
	_ =	swait.ge [sflag:s10], $0x190  }
0x50: {  	s16 =	sadd.s32 $0x5, s11;
	s26 =	smul.u32 $0x640, s11;
	[sflag:s10] =	ssyncset.done $0x0  }
0x51: {  	s6 =	smul.u32 $0x6400, s11;
	[sflag:s10] =	ssyncadd.s32 $0xFFFFFE70;
	s10 =	sadd.s32 $0x1, s11  }
0x52: {  	[tilespmem:s22], [sflag:s15] =	stream.indirect.gather [hbm4b:s4+s23], $0x10, s24, s23, $0xb8;
	[tilespmem:$0x1F720] =	vst v63  }
0x53: {  	s26 =	sshrl.u32 s26, $0x2;
	s6 =	sshrl.u32 s6, $0x2;
	_ =	swait.ge [sflag:s10], $0x1900  }
0x54: {  	s11 =	sand.u32 $0x3, s14;
	s15 =	sadd.s32 $0x32, s17;
	[sflag:s10] =	ssyncset.done $0x0  }
0x55: {  	s22 =	sadd.s32 $0x640, s26;
	s24 =	sadd.s32 $0xC80, s6;
	[sflag:s10] =	ssyncadd.s32 $0xFFFFE700  }
.LBB2_8:
0x56: {  	[spmem:s1] =	stream.indirect.scatter.add.f32 [tilespmem:s24], [sflag:s16], $0x10, s22, s23, $0xb8;
	[tilespmem:$0x1F720] =	vst v63  }
0x57: {  	s10 =	smov.u32 s5  }
0x58: {  	s16 =	smov.u32 s20;
	s22 =	smov.u32 s13;
	p4 =	por p2, p2  }
0x59: {  	s5 =	sadd.s32 $0x1, s5;
	p2 =	slt.u32 s10, $0x2;
	s13 =	sxor.u32 @!p4 $0x2, s11  }
0x5a: {  	s14 =	sadd.s32 $0x2, s14;
	s20 =	sand.u32 $0x3, s5;
	s24 =	sadd.s32 @!p4 $0x5, s13  }
0x5b: {  	s14 =	sand.u32 $0x3, s14;
	s13 =	smul.u32 $0x6400, s20;
	_ =	swait.ge @!p4 [sflag:s24], $0x1900  }
0x5c: {  	p3 =	sne.s32 s5, $0xF8;
	s26 =	smul.u32 $0x190, s14;
	[sflag:s24] =	ssyncset.done @!p4 $0x0  }
0x5d: {  	s14 =	sadd.s32 $0x9, s14;
	s13 =	sshrl.u32 s13, $0x2;
	[sflag:s24] =	ssyncadd.s32 @!p4 $0xFFFFE700  }
0x5e: {  	[tilespmem:s26], [sflag:s14] =	stream.linear.gather [hbm4b:s15+s2], $0x190, $0x38;
	[tilespmem:$0x1F720] =	vst v63  }
0x5f: {  	s6 =	sadd.s32 $0x9, s16;
	s24 =	smul.u32 $0x640, s20;
	s26 =	sadd.s32 $0x640, s26  }
0x60: {  	[tilespmem:s26], [sflag:s14] =	stream.linear.gather [hbm4b:s12+s2], $0x190, $0x38;
	[tilespmem:$0x1F720] =	vst v63  }
0x61: {  	s14 =	smov.u32 s10;
	s10 =	smov.u32 s0;
	_ =	swait.ge [sflag:s6], $0x190  }
0x62: {  	s12 =	sadd.s32 $0x32, s12;
	s0 =	smov.u32 s24;
	[sflag:s6] =	ssyncset.done $0x0  }
0x63: {  	s16 =	sadd.s32 $0x1, s16;
	s15 =	sadd.s32 $0x32, s15;
	[sflag:s6] =	ssyncadd.s32 $0xFFFFFE70  }
0x64: {  	s24 =	smul.u32 $0x640, s11;
	s10 =	sshrl.u32 s10, $0x2;
	_ =	swait.ge [sflag:s6], $0x190  }
0x65: {  	s22 =	sadd.s32 $0xC80, s22;
	s26 =	smul.u32 $0x6400, s11;
	[sflag:s6] =	ssyncset.done $0x0  }
.Ltmp4:
0x66: {  	[sflag:s6] =	ssyncadd.s32 $0xFFFFFE70;
	s6 =	sadd.s32 $0x1, s11;
	(pc) =	sbr.rel @p3 .LBB2_8-.Ltmp4, $4  }
0x67: {  	[tilespmem:s22], [sflag:s16] =	stream.indirect.gather [hbm4b:s4+s23], $0x10, s10, s23, $0xb8;
	[tilespmem:$0x1F720] =	vst v63  }
0x68: {  	s10 =	sshrl.u32 s24, $0x2;
	s16 =	sadd.s32 $0x5, s11;
	_ =	swait.ge [sflag:s6], $0x1900  }
0x69: {  	s24 =	sshrl.u32 s26, $0x2;
	s22 =	sadd.s32 $0x640, s10;
	[sflag:s6] =	ssyncset.done $0x0  }
0x6a: {  	s11 =	sand.u32 $0x3, s14;
	s24 =	sadd.s32 $0xC80, s24;
	[sflag:s6] =	ssyncadd.s32 $0xFFFFE700  }
0x6b: {  	[spmem:s1] =	stream.indirect.scatter.add.f32 [tilespmem:s24], [sflag:s16], $0x10, s22, s23, $0xb8;
	[tilespmem:$0x1F720] =	vst v63  }
0x6c: {  	p2 =	por p2, p2  }
0x6d: {  	s5 =	sxor.u32 @!p2 $0x2, s11  }
0x6e: {  	s6 =	sadd.s32 $0x2, s14;
	s5 =	sadd.s32 @!p2 $0x5, s5  }
0x6f: {  	s6 =	sand.u32 $0x3, s6;
	_ =	swait.ge @!p2 [sflag:s5], $0x1900  }
0x70: {  	s10 =	smul.u32 $0x190, s6;
	[sflag:s5] =	ssyncset.done @!p2 $0x0  }
0x71: {  	s6 =	sadd.s32 $0x9, s6;
	[sflag:s5] =	ssyncadd.s32 @!p2 $0xFFFFE700  }
0x72: {  	[tilespmem:s10], [sflag:s6] =	stream.linear.gather [hbm4b:s15+s2], $0x190, $0x38;
	[tilespmem:$0x1F720] =	vst v63  }
0x73: {  	s14 =	sadd.s32 $0x640, s10;
	s15 =	sadd.s32 $0x9, s20  }
0x74: {  	[tilespmem:s14], [sflag:s6] =	stream.linear.gather [hbm4b:s12+s2], $0x190, $0x38;
	[tilespmem:$0x1F720] =	vst v63  }
0x75: {  	_ =	swait.ge [sflag:s15], $0x190  }
0x76: {  	[sflag:s15] =	ssyncset.done $0x0  }
0x77: {  	[sflag:s15] =	ssyncadd.s32 $0xFFFFFE70  }
0x78: {  	s16 =	sadd.s32 $0x1, s20;
	s0 =	sshrl.u32 s0, $0x2;
	_ =	swait.ge [sflag:s15], $0x190  }
0x79: {  	s22 =	smul.u32 $0x640, s11;
	s24 =	sadd.s32 $0x1, s11;
	[sflag:s15] =	ssyncset.done $0x0  }
0x7a: {  	s26 =	smul.u32 $0x6400, s11;
	s20 =	sadd.s32 $0xC80, s13;
	[sflag:s15] =	ssyncadd.s32 $0xFFFFFE70  }
0x7b: {  	[tilespmem:s20], [sflag:s16] =	stream.indirect.gather [hbm4b:s4+s23], $0x10, s0, s23, $0xb8;
	[tilespmem:$0x1F720] =	vst v63  }
0x7c: {  	s10 =	sadd.s32 $0x5, s11;
	_ =	swait.ge [sflag:s24], $0x1900  }
0x7d: {  	s6 =	sshrl.u32 s26, $0x2;
	s0 =	sshrl.u32 s22, $0x2;
	[sflag:s24] =	ssyncset.done $0x0  }
0x7e: {  	s6 =	sadd.s32 $0xC80, s6;
	s0 =	sadd.s32 $0x640, s0;
	[sflag:s24] =	ssyncadd.s32 $0xFFFFE700  }
0x7f: {  	[spmem:s1] =	stream.indirect.scatter.add.f32 [tilespmem:s6], [sflag:s10], $0x10, s0, s23, $0xb8;
	[tilespmem:$0x1F720] =	vst v63  }
0x80: {  	_ =	swait.ge [sflag:s28], $0x1900  }
0x81: {  	s11 =	sxor.u32 $0x2, s11;
	[sflag:s28] =	ssyncset.done $0x0  }
0x82: {  	s12 =	sadd.s32 $0x9, s11;
	[sflag:s28] =	ssyncadd.s32 $0xFFFFE700  }
0x83: {  	_ =	swait.ge [sflag:s12], $0x190  }
0x84: {  	s13 =	smul.u32 $0x6400, s11;
	[sflag:s12] =	ssyncset.done $0x0  }
0x85: {  	s14 =	smul.u32 $0x640, s11;
	[sflag:s12] =	ssyncadd.s32 $0xFFFFFE70  }
0x86: {  	_ =	swait.ge [sflag:s12], $0x190  }
0x87: {  	s15 =	sshrl.u32 s13, $0x2;
	s16 =	sshrl.u32 s14, $0x2;
	[sflag:s12] =	ssyncset.done $0x0  }
0x88: {  	s5 =	sadd.s32 $0xC80, s15;
	s0 =	sadd.s32 $0x1, s11;
	[sflag:s12] =	ssyncadd.s32 $0xFFFFFE70  }
0x89: {  	[tilespmem:s5], [sflag:s0] =	stream.indirect.gather [hbm4b:s4+s23], $0x10, s16, s23, $0xb8;
	[tilespmem:$0x1F720] =	vst v63  }
0x8a: {  	_ =	swait.ge [sflag:s29], $0x1900  }
0x8b: {  	[sflag:s29] =	ssyncset.done $0x0  }
0x8c: {  	s6 =	simm.s32 $0x640;
	s11 =	simm.s32 $0xC80;
	[sflag:s29] =	ssyncadd.s32 $0xFFFFE700  }
0x8d: {  	[spmem:s1] =	stream.indirect.scatter.add.f32 [tilespmem:s11], [sflag:$0x5], $0x10, s6, s23, $0xb8;
	[tilespmem:$0x1F720] =	vst v63  }
0x8e: {  	_ =	swait.ge [sflag:s30], $0x1900  }
0x8f: {  	[sflag:s30] =	ssyncset.done $0x0  }
0x90: {  	[sflag:s30] =	ssyncadd.s32 $0xFFFFE700  }
0x91: {  	_ =	swait.ge [sflag:s31], $0x1900  }
0x92: {  	[sflag:s31] =	ssyncset.done $0x0  }
0x93: {  	s20 =	simm.s32 $0x2580;
	s10 =	simm.s32 $0x7D0;
	[sflag:s31] =	ssyncadd.s32 $0xFFFFE700  }
0x94: {  	[spmem:s1] =	stream.indirect.scatter.add.f32 [tilespmem:s20], [sflag:$0x6], $0x10, s10, s23, $0xb8;
	[tilespmem:$0x1F720] =	vst v63  }
0x95: {  	_ =	swait.ge [sflag:s3], $0x1900  }
0x96: {  	[sflag:s3] =	ssyncset.done $0x0  }
0x97: {  	[sflag:s3] =	ssyncadd.s32 $0xFFFFE700  }
0x98: {  	_ =	swait.ge [sflag:s9], $0x1900  }
0x99: {  	[sflag:s9] =	ssyncset.done $0x0  }
0x9a: {  	[sflag:s9] =	ssyncadd.s32 $0xFFFFE700  }
0x9b: {  	[bflag:$0x0] =	sbarrier.arrive $0xFFFF  }
0x9c: {  	s22 =	rddreg [dreg:$0x4]  }
0x9d: {  	s24 =	rddreg [dreg:$0xb];
	s0 =	sshrl.u32 s22, $0x3  }
0x9e: {  	[hbm:s24], [sflag:s19] =	dma.local [spmem:s0], $0x30D0  }
0x9f: {  	_ =	swait.ge [sflag:s21], $0x30D0  }
0xa0: {  	[sflag:s21] =	ssyncset.done $0x0  }
0xa1: {  	s0 =	sshrl.u32 @!p1 s8, $0x3;
	s5 =	rddreg [dreg:$0xc];
	[sflag:s21] =	ssyncadd.s32 $0xFFFFCF30  }
0xa2: {  	[hbm:s5], [sflag:s19] =	dma.local @!p1 [spmem:s0], $0x40  }
0xa3: {  	s0 =	simm.s32 @!p1 $0xD  }
0xa4: {  	_ =	swait.ge @!p1 [sflag:s0], $0x40  }
0xa5: {  	s7 =	sadd.s32 $0x1, s7;
	s26 =	rddreg [dreg:$0xd]  }
0xa6: {  	p2 =	sne.s32 s7, s26  }
.Ltmp5:
0xa7: {  	_ = 	snop;
	(pc) =	sbr.rel @p2 .LBB2_1-.Ltmp5, $3  }
0xa8: {  	_ =	sdelay $0x1  }
0xa9: {  	[sflag:s0] =	ssyncset.done @!p1 $0x0  }
0xaa: {  	[sflag:s0] =	ssyncadd.s32 @!p1 $0xFFFFFFC0  }
0xab: {  	_ =	sfence.sel $0x180000  }
0xac: {  	[bflag:$0x0] =	sbarrier.arrive $0xFFFF  }
0xad: {  	_ =	strace $0x90000047  }
0xae: {  	s0 =	stileid.u32;
	[bflag:$0x2] =	sbarrier.arrive $0xFFFF  }
0xaf: {  	p0 =	sne.s32 s0, $0x0;
	s0 =	rddreg [dreg:$0x2]  }
0xb0: {  	s0 =	sadd.s32 @!p0 $0x100000, s0  }
0xb1: {  	[sflag:s0] =	ssyncadd.tile.s32 @!p0 $0x1;
	_ =	shalt  }
.Lfunc_end2:
_tile_overlayer_lowered:
.L_overlay_start_2:
0xb2: {  	(tag) =	ssettag $0x2  }
0xb3: {  	s0 =	rddreg [dreg:$0x0];
	s2 =	stileid.u32  }
0xb4: {  	s1 =	rddreg [dreg:$0x1];
	p0 =	sne.s32 s2, $0x0  }
0xb5: {  	s3 =	rddreg [dreg:$0x2];
	[bflag:$0x3] =	sbarrier.arrive $0xFFFF;
	s2 =	simm.s32 @!p0 $0x1C0D  }
0xb6: {  	[timem:s3], [sflag:s2] =	dma.local @!p0 [hbm:s0], s1  }
0xb7: {  	s0 =	simm.s32 @!p0 $0xD  }
0xb8: {  	_ =	swait.ge @!p0 [sflag:s0], s1  }
0xb9: {  	s1 =	ssub.s32 @!p0 $0x0, s1;
	[sflag:s0] =	ssyncset.done @!p0 $0x0  }
0xba: {  	[sflag:s0] =	ssyncadd.s32 @!p0 s1  }
0xbb: {  	[bflag:$0x3] =	sbarrier.arrive $0xFFFF  }
0xbc: {  	_ =	shalt  }

// kernel: kernel.9.cloned.1.call-start
scs
__scs_entry_jumppad:
0x0: {  	(pc) =	sbr.rel $0x88, $3  }
0x1: {  	(tag) =	ssettag $0x0;
	lr =	simm.s32 $0x1  }
0x2: {  	[smem:$0x3F8E] =	sst lr;
	_ =	strace $0xD0000000  }
0x3: {  	_ = 	snop  }
0x4: {  	_ = 	snop  }
0x5: {  	_ = 	snop  }
0x6: {  	_ = 	snop  }
0x7: {  	_ = 	snop  }
__scs_overlays_trampoline_lowered:
0x8: {  	[smem:$0x3F9D] =	sst s0  }
0x9: {  	[smem:$0x3F9E] =	sst s1  }
0xa: {  	[smem:$0x3F9F] =	sst s2  }
0xb: {  	[smem:$0x3FA0] =	sst s3  }
0xc: {  	[smem:$0x3FA1] =	sst s4  }
0xd: {  	[smem:$0x3FA2] =	sst s5  }
0xe: {  	[smem:$0x3FA3] =	sst s6  }
0xf: {  	[smem:$0x3FA4] =	sst s7  }
0x10: {  	[smem:$0x3FA5] =	sst s8  }
0x11: {  	[smem:$0x3FA6] =	sst s9;
	s0 =	simm.s32 @!p0 $0x0  }
0x12: {  	s1 =	sld [smem:$0x3F8C];
	s0 =	simm.s32 @p0 $0x1  }
0x13: {  	[smem:$0x3FA7] =	sst s0;
	s0 =	simm.s32 @!p1 $0x0  }
0x14: {  	s2 =	sld [smem:$0x3F8B];
	s0 =	simm.s32 @p1 $0x1  }
0x15: {  	[smem:$0x3FA8] =	sst s0;
	s0 =	simm.s32 @!p2 $0x0  }
0x16: {  	s3 =	sld [smem:$0x3FDB];
	s0 =	simm.s32 @p2 $0x1  }
0x17: {  	s4 =	simm.s32 $0x1BF5;
	[smem:$0x3FAA] =	sst s0  }
0x18: {  	s0 =	sld [smem:$0x3F8D];
	_ =	swait.ge [sflag:s4], $0x0  }
0x19: {  	s7 =	sld [smem:$0x3F8E]  }
0x1a: {  	s8 =	sadd.s32 $0xFFFFE003, lr  }
0x1b: {  	s9 =	sadd.s32 $0xFFFFFEF7, lr;
	s5 =	simm.s32 $0xFFFFFFFF;
	p2 =	slt.u32 s8, $0xFFFFF086  }
0x1c: {  	p1 =	slt.u32 s9, $0xF7A;
	s5 =	simm.s32 @!p2 $0x0  }
0x1d: {  	s5 =	simm.s32 @p1 $0x1;
	p0 =	seq.s32 s7, s2  }
0x1e: {  	s7 =	smul.u32 @!p0 $0xF7A, s2;
	p2 =	seq.s32 @!p0 s5, $0x0  }
0x1f: {  	s9 =	smul.u32 $0xF7A, s1;
	s8 =	simm.s32 @!p0 $0x1BF5;
	p2 =	por !p2, p0  }
0x20: {  	[sflag:s8] =	ssyncset.s32 @!p0 $0xFFFFF086;
	s6 =	sadd.s32 @!p0 s3, s7;
	s7 =	simm.s32 @!p0 $0x108  }
0x21: {  	s3 =	sadd.s32 s3, s9;
	s6 =	sadd.s32 @!p0 $0x88, s6;
	s7 =	simm.s32 @p2 $0x1082  }
0x22: {  	[simem:s7], [sflag:s8] =	dma.local @!p0 [hbm:s6], $0xF7A  }
0x23: {  	s9 =	sor.u32 $0xD0000000, s2;
	s6 =	simm.s32 $0x108;
	_ =	swait.ge @!p0 [sflag:s8], $0x0  }
0x24: {  	s3 =	sadd.s32 $0x88, s3;
	s6 =	simm.s32 @!p1 $0x1082;
	[sflag:s4] =	ssyncset.s32 $0xFFFFF086  }
0x25: {  	[simem:s6], [sflag:s4] =	dma.local [hbm:s3], $0xF7A  }
0x26: {  	[smem:$0x3F8E] =	sst s1;
	(tag) =	ssettag s2;
	_ =	strace s9  }
0x27: {  	s1 =	sld [smem:$0x3F9E]  }
0x28: {  	s2 =	sld [smem:$0x3F9F]  }
0x29: {  	s4 =	sld [smem:$0x3FA1]  }
0x2a: {  	p0 =	seq.s32 s5, $0x0;
	s5 =	sld [smem:$0x3FA2]  }
0x2b: {  	s6 =	sld [smem:$0x3FA3]  }
0x2c: {  	s7 =	sld [smem:$0x3FA4]  }
0x2d: {  	s3 =	simm.s32 $0x108;
	s8 =	sld [smem:$0x3FA5]  }
0x2e: {  	s3 =	simm.s32 @!p0 $0x1082;
	s9 =	sld [smem:$0x3FA6]  }
0x2f: {  	lr =	sadd.s32 s0, s3;
	s0 =	sld [smem:$0x3F9D]  }
0x30: {  	s3 =	sld [smem:$0x3FA0]  }
0x31: {  	[smem:$0x3FA9] =	sst s10  }
0x32: {  	s10 =	sld [smem:$0x3FA7];
	_ =	sdelay $0x3  }
0x33: {  	p0 =	seq.s32 s10, $0x1;
	s10 =	sld [smem:$0x3FA9];
	_ =	sdelay $0x3  }
0x34: {  	[smem:$0x3FA9] =	sst s10  }
0x35: {  	s10 =	sld [smem:$0x3FA8];
	_ =	sdelay $0x3  }
0x36: {  	p1 =	seq.s32 s10, $0x1;
	s10 =	sld [smem:$0x3FA9];
	_ =	sdelay $0x3  }
0x37: {  	[smem:$0x3FA9] =	sst s10  }
0x38: {  	s10 =	sld [smem:$0x3FAA]  }
0x39: {  	_ = 	snop;
	(pc) =	sbr.ind lr, $3  }
0x3a: {  	_ = 	snop  }
0x3b: {  	_ = 	snop  }
0x3c: {  	p2 =	seq.s32 s10, $0x1;
	s10 =	sld [smem:$0x3FA9]  }
0x3d: {  	_ =	shalt  }
0x3e: {  	_ =	shalt  }
0x3f: {  	_ =	shalt  }
0x40: {  	_ =	shalt  }
0x41: {  	_ =	shalt  }
0x42: {  	_ =	shalt  }
0x43: {  	_ =	shalt  }
0x44: {  	_ =	shalt  }
0x45: {  	_ =	shalt  }
0x46: {  	_ =	shalt  }
0x47: {  	_ =	shalt  }
0x48: {  	_ =	shalt  }
0x49: {  	_ =	shalt  }
0x4a: {  	_ =	shalt  }
0x4b: {  	_ =	shalt  }
0x4c: {  	_ =	shalt  }
0x4d: {  	_ =	shalt  }
0x4e: {  	_ =	shalt  }
0x4f: {  	_ =	shalt  }
0x50: {  	_ =	shalt  }
0x51: {  	_ =	shalt  }
0x52: {  	_ =	shalt  }
0x53: {  	_ =	shalt  }
0x54: {  	_ =	shalt  }
0x55: {  	_ =	shalt  }
0x56: {  	_ =	shalt  }
0x57: {  	_ =	shalt  }
0x58: {  	_ =	shalt  }
0x59: {  	_ =	shalt  }
0x5a: {  	_ =	shalt  }
0x5b: {  	_ =	shalt  }
0x5c: {  	_ =	shalt  }
0x5d: {  	_ =	shalt  }
0x5e: {  	_ =	shalt  }
0x5f: {  	_ =	shalt  }
0x60: {  	_ =	shalt  }
0x61: {  	_ =	shalt  }
0x62: {  	_ =	shalt  }
0x63: {  	_ =	shalt  }
0x64: {  	_ =	shalt  }
0x65: {  	_ =	shalt  }
0x66: {  	_ =	shalt  }
0x67: {  	_ =	shalt  }
0x68: {  	_ =	shalt  }
0x69: {  	_ =	shalt  }
0x6a: {  	_ =	shalt  }
0x6b: {  	_ =	shalt  }
0x6c: {  	_ =	shalt  }
0x6d: {  	_ =	shalt  }
0x6e: {  	_ =	shalt  }
0x6f: {  	_ =	shalt  }
0x70: {  	_ =	shalt  }
0x71: {  	_ =	shalt  }
0x72: {  	_ =	shalt  }
0x73: {  	_ =	shalt  }
0x74: {  	_ =	shalt  }
0x75: {  	_ =	shalt  }
0x76: {  	_ =	shalt  }
0x77: {  	_ =	shalt  }
0x78: {  	_ =	shalt  }
0x79: {  	_ =	shalt  }
0x7a: {  	_ =	shalt  }
0x7b: {  	_ =	shalt  }
0x7c: {  	_ =	shalt  }
0x7d: {  	_ =	shalt  }
0x7e: {  	_ =	shalt  }
0x7f: {  	_ =	shalt  }
0x80: {  	_ =	shalt  }
0x81: {  	_ =	shalt  }
0x82: {  	_ =	shalt  }
0x83: {  	_ =	shalt  }
0x84: {  	_ =	shalt  }
0x85: {  	_ =	shalt  }
0x86: {  	_ =	shalt  }
0x87: {  	_ =	shalt  }
.Lfunc_end0:
.L_simem_size_0:
called_computation.1_lowered:
.L_overlay_start_0:
0x88: {  	s2 =	sld [smem:$0x3FD9]  }
0x89: {  	s3 =	sld [smem:$0x3FFE];
	_ =	sdelay $0x1  }
0x8a: {  	s1 =	srdreg.scid  }
0x8b: {  	s0 =	sand.u32 $0x1, s1  }
0x8c: {  	s16 =	sshll.u32 s0, $0xA;
	s2 =	sadd.s32 s3, s2  }
0x8d: {  	s2 =	sadd.s32 s2, s16  }
0x8e: {  	[smem:$0x3FB5] =	sst s2  }
0x8f: {  	_ = 	snop  }
0x90: {  	(tm) =	ssettm $0x1  }
0x91: {  	s17 =	sld [smem:$0x3FFB];
	_ =	sdelay $0x3  }
0x92: {  	_ =	strace s17  }
0x93: {  	s2 =	sld [smem:$0x3FFC];
	_ =	sdelay $0x3  }
0x94: {  	_ =	strace s2  }
0x95: {  	s2 =	sld [smem:$0x3FFD];
	_ =	sdelay $0x3  }
0x96: {  	_ =	strace s2  }
0x97: {  	_ =	strace $0x8FFFFFFF  }
0x98: {  	s18 =	sld [smem:$0x3FDB];
	_ =	sdelay $0x1  }
0x99: {  	s19 =	simm.s32 $_scs_section_size  }
0x9a: {  	s4 =	simm.s32 $_size__tile_overlayer_lowered;
	s5 =	simm.s32 $_tile_overlayer_lowered  }
0x9b: {  	s22 =	simm.s32 $0x1BFF;
	s21 =	sshll.u32 s5, $0x1;
	s2 =	sadd.s32 s19, s18  }
0x9c: {  	s6 =	simm.s32 $0x0;
	s20 =	sshll.u32 s4, $0x1;
	s4 =	sadd.s32 s21, s2  }
0x9d: {  	[timem:s6], [sflag:s22] =	dma.local [hbm:s4], s20  }
0x9e: {  	_ =	swait.ge [sflag:s22], s20  }
0x9f: {  	s3 =	ssub.s32 $0x0, s20;
	[sflag:s22] =	ssyncset.done $0x0  }
0xa0: {  	[sflag:s22] =	ssyncadd.s32 s3;
	_ =	sdelay $0x1  }
0xa1: {  	s23 =	simm.s32 $0x1B8B  }
0xa2: {  	_ =	swait.ge [sflag:s23], $0x1  }
0xa3: {  	[sflag:s23] =	ssyncset.done $0x0  }
0xa4: {  	s25 =	simm.s32 $0x1B8E;
	s24 =	sld [smem:$0x3FFE];
	[sflag:s23] =	ssyncadd.s32 $0xFFFFFFFF  }
0xa5: {  	s26 =	simm.s32 $execute0_lowered;
	[smem:$0x3FD2] =	sst s25  }
0xa6: {  	s4 =	sshll.u32 s26, $0x1;
	_ =	strace $0x80000049;
	[dreg:$0x1] =	wrdreg $0xFFFFFFFF  }
0xa7: {  	s28 =	simm.s32 $_size_execute0_lowered;
	s2 =	sadd.s32 s2, s4;
	[dreg:$0x0] =	wrdreg $0x0  }
0xa8: {  	s4 =	sshll.u32 s28, $0x1;
	[dreg:$0x2] =	wrdreg s2  }
0xa9: {  	[dreg:$0x3] =	wrdreg s4  }
0xaa: {  	[dreg:$0x4] =	wrdreg $0xC0  }
0xab: {  	_ =	task [dreg:s6], $0x5FFFF  }
0xac: {  	[dreg:$0x1] =	wrdreg $0xFFFFFFFF  }
0xad: {  	[dreg:$0x0] =	wrdreg $0x60  }
0xae: {  	[dreg:$0x2] =	wrdreg s24  }
0xaf: {  	[dreg:$0x3] =	wrdreg $0xEA600  }
0xb0: {  	[dreg:$0x4] =	wrdreg $0x9  }
0xb1: {  	_ =	task.clear_ibuf [dreg:s6], $0x5FFFF;
	_ =	strace $0x90000049  }
0xb2: {  	s29 =	simm.s32 $0x9;
	_ =	strace $0x8000004B  }
0xb3: {  	_ =	swait.ge [sflag:s29], $0x1  }
0xb4: {  	[sflag:s29] =	ssyncadd.s32 $0xFFFFFFFF  }
0xb5: {  	_ =	strace $0x9000004B  }
0xb6: {  	_ =	sfence  }
0xb7: {  	s30 =	sld [smem:$0x0];
	_ =	sdelay $0x2  }
0xb8: {  	s31 =	sshll.u32 s1, $0xD;
	s1 =	sshrl.u32 s1, $0x2  }
0xb9: {  	s3 =	sand.u32 $0x4000, s31;
	s1 =	sadd.s32 s1, s30  }
0xba: {  	s0 =	sor.u32 s3, s0;
	s1 =	sshll.u32 s1, $0x11  }
0xbb: {  	s0 =	sor.u32 s1, s0  }
0xbc: {  	s0 =	sadd.s32 $0x8F2B, s0  }
0xbd: {  	[sflag:s0] =	ssyncadd.remote.s32 $0x1  }
0xbe: {  	_ =	sfence.sel $0xFFFF  }
0xbf: {  	[dreg:$0x0] =	wrdreg $0xFFFFFFFF;
	(pc) =	sbr.abs _section_cstart, $3  }
0xc0: {  	[dreg:$0x1] =	wrdreg $0xFFFFFFFF  }
0xc1: {  	_ =	task.clear_ibuf [dreg:s6], $0x2FFFF;
	_ =	strace $0x9FFFFFFF  }
0xc2: {  	(tm) =	ssettm $0x7FFFFFFF  }
0xc3: {  	_ =	shalt  }
tec
execute0_lowered:
.L_overlay_start_1:
0x0: {  	(tag) =	ssettag $0x1  }
0x1: {  	s0 =	rddreg [dreg:$0x0]  }
0x2: {  	s1 =	rddreg [dreg:$0x1];
	s2 =	simm.s32 $0x0;
	s6 =	srdreg.scid  }
0x3: {  	s28 =	simm.s32 $0x8;
	s29 =	simm.s32 $0x9;
	s30 =	simm.s32 $0xA  }
0x4: {  	[smem:$0x7FF] =	sst s2;
	s3 =	sadd.s32 $0x2C00, s0;
	s4 =	sadd.s32 $0xC6200, s0  }
0x5: {  	s5 =	sadd.s32 $0xDEA00, s0;
	s7 =	sand.u32 $0x1, s6;
	s9 =	sadd.s32 $0xE0400, s0  }
0x6: {  	s0 =	sadd.s32 $0xDE880, s0;
	_ =	strace $0x8000004A;
	[dreg:$0x3] =	wrdreg s5  }
0x7: {  	s5 =	stileid.u32;
	s6 =	ssub.s32 $0x2, s7;
	s15 =	smul.u32 $0xC3500, s7  }
0x8: {  	s10 =	sshll.u32 s7, $0x4;
	p0 =	seq.s32 s7, $0x1;
	s7 =	smul.u32 $0x186A00, s7  }
0x9: {  	s31 =	simm.s32 $0x0;
	[dreg:$0x5] =	wrdreg s0;
	s13 =	smul.u32 $0xC340, s5  }
0xa: {  	s8 =	sshrl.u32 s6, $0x1;
	s11 =	smul.u32 $0x30D00, s5;
	s19 =	sor.u32 s5, s10  }
0xb: {  	s18 =	smul.u32 $0x186A0, s5;
	p1 =	sne.s32 s5, $0xF;
	s16 =	ssub.s32 s6, s8  }
0xc: {  	s14 =	smul.u32 $0x186A0, s19;
	s20 =	sshrl.u32 s13, $0x3;
	s6 =	sadd.s32 s13, s1  }
0xd: {  	s21 =	sshrl.u32 s11, $0x2;
	s17 =	sadd.s32 s13, s15;
	s15 =	sshrl.u32 s15, $0x3  }
0xe: {  	s7 =	sadd.s32 s18, s7;
	s16 =	smax.u32 s16, $0x1;
	s8 =	sadd.s32 s4, s20  }
0xf: {  	s22 =	sshrl.u32 s14, $0x3;
	s0 =	sadd.s32 s21, s1;
	s12 =	sadd.s32 $0x3E8, s14  }
0x10: {  	s14 =	sadd.s32 $0x30D7E8, s14;
	s24 =	sshrl.u32 s17, $0x3;
	s25 =	sadd.s32 $0x7D0, s7  }
0x11: {  	s7 =	sadd.s32 $0x30DBD0, s7;
	s20 =	simm.s32 $0x13;
	[dreg:$0x4] =	wrdreg s8  }
0x12: {  	s8 =	sadd.s32 $0xC3400, s1;
	s10 =	sadd.s32 s3, s22;
	s12 =	sshrl.u32 s12, $0x3  }
0x13: {  	s14 =	sshrl.u32 s14, $0x3;
	s26 =	sshrl.u32 s7, $0x3;
	s0 =	sshrl.u32 s0, $0x3  }
.Ltmp0:
0x14: {  	s22 =	simm.s32 $0x3E8;
	s23 =	sadd.s32 $0x61A80, s10;
	(pc) =	sbr.rel .LBB2_1-.Ltmp0, $4  }
0x15: {  	s12 =	sadd.s32 s3, s12;
	s13 =	sadd.s32 s3, s14;
	s14 =	sadd.s32 s9, s24  }
0x16: {  	s9 =	sadd.s32 s9, s15;
	[dreg:$0x7] =	wrdreg s0;
	s24 =	simm.s32 $0xD  }
0x17: {  	[dreg:$0x6] =	wrdreg s23;
	s15 =	sadd.s32 $0x18680, s9;
	s9 =	sshrl.u32 s25, $0x3  }
0x18: {  	s7 =	sadd.s32 s9, s3;
	s9 =	sadd.s32 s26, s3;
	s26 =	simm.s32 $0x7  }
.LBB2_13:
0x19: {  	_ =	swait.ge [sflag:s26], $0x1F40  }
0x1a: {  	[sflag:s26] =	ssyncset.done $0x0  }
0x1b: {  	[sflag:s26] =	ssyncadd.s32 $0xFFFFE0C0  }
0x1c: {  	_ =	swait.ge [sflag:s28], $0x1F40  }
0x1d: {  	[sflag:s28] =	ssyncset.done $0x0  }
0x1e: {  	[sflag:s28] =	ssyncadd.s32 $0xFFFFE0C0  }
0x1f: {  	_ =	swait.ge [sflag:s29], $0x1F40  }
0x20: {  	[sflag:s29] =	ssyncset.done $0x0  }
0x21: {  	[sflag:s29] =	ssyncadd.s32 $0xFFFFE0C0  }
0x22: {  	_ =	swait.ge [sflag:s30], $0x1F40  }
0x23: {  	[sflag:s30] =	ssyncset.done $0x0  }
0x24: {  	[sflag:s30] =	ssyncadd.s32 $0xFFFFE0C0  }
0x25: {  	s3 =	sshrl.u32 s6, $0x3;
	[bflag:$0x0] =	sbarrier.arrive $0xFFFF  }
0x26: {  	[hbm:s14], [sflag:s0] =	dma.local [spmem:s3], $0x1868  }
0x27: {  	_ =	swait.ge [sflag:s20], $0x1868  }
0x28: {  	s31 =	sadd.s32 $0x1, s31;
	[sflag:s20] =	ssyncset.done $0x0  }
0x29: {  	p2 =	sne.s32 s31, s16;
	s3 =	sshrl.u32 @!p1 s8, $0x3;
	[sflag:s20] =	ssyncadd.s32 $0xFFFFE798  }
0x2a: {  	[hbm:s15], [sflag:s0] =	dma.local @!p1 [spmem:s3], $0x20  }
.Ltmp1:
0x2b: {  	_ = 	snop;
	(pc) =	sbr.rel @!p2 .LBB2_14-.Ltmp1, $4  }
0x2c: {  	s0 =	simm.s32 @!p1 $0x13  }
0x2d: {  	_ =	swait.ge @!p1 [sflag:s0], $0x20  }
0x2e: {  	[sflag:s0] =	ssyncset.done @!p1 $0x0  }
0x2f: {  	[sflag:s0] =	ssyncadd.s32 @!p1 $0xFFFFFFE0  }
.LBB2_1:
.Ltmp2:
0x30: {  	(pc) =	sbr.rel @!p0 .LBB2_2-.Ltmp2, $4  }
0x31: {  	_ = 	snop  }
0x32: {  	s0 =	stileid.u32  }
0x33: {  	s0 =	sshll.u32 s0, $0x6  }
0x34: {  	s0 =	sor.u32 $0x1C13, s0  }
0x35: {  	s3 =	rddreg [dreg:$0x3]  }
.Ltmp3:
0x36: {  	s5 =	rddreg [dreg:$0x7];
	(pc) =	sbr.rel @p1 .LBB2_7-.Ltmp3, $4  }
0x37: {  	[spmem:s5], [sflag:s0] =	dma.local [hbm:s3], $0x1868  }
0x38: {  	_ =	swait.ge [sflag:s20], $0x1868  }
0x39: {  	[sflag:s20] =	ssyncset.done $0x0  }
0x3a: {  	[sflag:s20] =	ssyncadd.s32 $0xFFFFE798  }
.Ltmp4:
0x3b: {  	(pc) =	sbr.rel .LBB2_6-.Ltmp4, $3  }
0x3c: {  	_ =	sdelay $0x1  }
0x3d: {  	s3 =	sshrl.u32 s8, $0x3;
	s5 =	rddreg [dreg:$0x3]  }
0x3e: {  	[spmem:s3], [sflag:s0] =	dma.local [hbm:s5], $0x20  }
.LBB2_2:
.Ltmp5:
0x3f: {  	s3 =	sshrl.u32 s6, $0x3;
	s5 =	rddreg [dreg:$0x4];
	(pc) =	sbr.rel @p1 .LBB2_7-.Ltmp5, $4  }
0x40: {  	[spmem:s3], [sflag:s0] =	dma.local [hbm:s5], $0x1868  }
0x41: {  	_ =	swait.ge [sflag:s20], $0x1868  }
0x42: {  	[sflag:s20] =	ssyncset.done $0x0  }
0x43: {  	[sflag:s20] =	ssyncadd.s32 $0xFFFFE798  }
0x44: {  	s3 =	sshrl.u32 s8, $0x3;
	s5 =	rddreg [dreg:$0x5]  }
0x45: {  	[spmem:s3], [sflag:s0] =	dma.local [hbm:s5], $0x20  }
.LBB2_6:
0x46: {  	_ =	swait.ge [sflag:s20], $0x20  }
0x47: {  	[sflag:s20] =	ssyncset.done $0x0  }
0x48: {  	[sflag:s20] =	ssyncadd.s32 $0xFFFFFFE0  }
.LBB2_7:
0x49: {  	[bflag:$0x0] =	sbarrier.arrive $0xFFFF;
	s3 =	simm.s32 $0x0  }
0x4a: {  	[tilespmem:s3], [sflag:$0xD] =	stream.linear.gather [hbm4b:s10+s3], $0x3E8, $0x38;
	[tilespmem:$0x1ADB0] =	vst v63  }
0x4b: {  	s11 =	simm.s32 $0x1770;
	s5 =	rddreg [dreg:$0x6]  }
0x4c: {  	[tilespmem:s11], [sflag:$0xD] =	stream.linear.gather [hbm4b:s5+s3], $0x3E8, $0x38;
	[tilespmem:$0x1ADB0] =	vst v63  }
0x4d: {  	_ = 	snop  }
0x4e: {  	[tilespmem:s22], [sflag:$0xE] =	stream.linear.gather [hbm4b:s12+s3], $0x3E8, $0x38;
	[tilespmem:$0x1ADB0] =	vst v63  }
0x4f: {  	s23 =	simm.s32 $0x1B58  }
0x50: {  	[tilespmem:s23], [sflag:$0xE] =	stream.linear.gather [hbm4b:s13+s3], $0x3E8, $0x38;
	[tilespmem:$0x1ADB0] =	vst v63  }
0x51: {  	_ =	swait.ge [sflag:s24], $0x3E8  }
0x52: {  	[sflag:s24] =	ssyncset.done $0x0  }
.Ltmp6:
0x53: {  	[sflag:s24] =	ssyncadd.s32 $0xFFFFFC18;
	(pc) =	sbr.rel .LBB2_8-.Ltmp6, $4  }
0x54: {  	_ =	swait.ge [sflag:s24], $0x3E8  }
0x55: {  	s25 =	simm.s32 $0x2EE0;
	[sflag:s24] =	ssyncset.done $0x0  }
0x56: {  	s18 =	smov.u32 s9;
	s17 =	smov.u32 s7;
	[sflag:s24] =	ssyncadd.s32 $0xFFFFFC18  }
0x57: {  	[tilespmem:s25], [sflag:$0x1] =	stream.indirect.gather [hbm4b:s4+s22], $0x8, s3, s22, $0xb8;
	[tilespmem:$0x1ADB0] =	vst v63  }
.LBB2_9:
0x58: {  	s19 =	sadd.s32 $0x156, s23  }
0x59: {  	s19 =	sshrl.u32 s19, $0xA  }
0x5a: {  	s19 =	sand.u32 $0x3F, s19  }
0x5b: {  	s19 =	smul.u32 $0x6, s19;
	_ =	sdelay $0x1  }
0x5c: {  	s19 =	ssub.s32 s3, s19  }
0x5d: {  	s19 =	sadd.s32 $0x2, s19  }
0x5e: {  	s19 =	sand.u32 $0xFF, s19  }
0x5f: {  	s25 =	smul.u32 $0x3E8, s19  }
0x60: {  	s19 =	sadd.s32 $0xD, s19  }
0x61: {  	[tilespmem:s25], [sflag:s19] =	stream.linear.gather [hbm4b:s17+s2], $0x3E8, $0x38;
	[tilespmem:$0x1ADB0] =	vst v63  }
0x62: {  	s25 =	sadd.s32 $0x1770, s25  }
0x63: {  	[tilespmem:s25], [sflag:s19] =	stream.linear.gather [hbm4b:s18+s2], $0x3E8, $0x38;
	[tilespmem:$0x1ADB0] =	vst v63  }
.LBB2_11:
0x64: {  	s19 =	sadd.s32 $0xAB, s23  }
0x65: {  	s19 =	sshrl.u32 s19, $0xA  }
0x66: {  	s19 =	sand.u32 $0x3F, s19  }
0x67: {  	s19 =	smul.u32 $0x6, s19;
	_ =	sdelay $0x1  }
0x68: {  	s19 =	ssub.s32 s21, s19  }
0x69: {  	s19 =	sand.u32 $0xFF, s19  }
0x6a: {  	s25 =	sadd.s32 $0xD, s19  }
0x6b: {  	_ =	swait.ge [sflag:s25], $0x3E8  }
0x6c: {  	[sflag:s25] =	ssyncset.done $0x0  }
0x6d: {  	s5 =	smul.u32 $0x7D00, s19;
	[sflag:s25] =	ssyncadd.s32 $0xFFFFFC18  }
0x6e: {  	s11 =	smul.u32 $0xFA0, s19;
	_ =	swait.ge [sflag:s25], $0x3E8  }
0x6f: {  	s19 =	sadd.s32 $0x1, s19;
	s5 =	sshrl.u32 s5, $0x2;
	[sflag:s25] =	ssyncset.done $0x0  }
0x70: {  	s11 =	sshrl.u32 s11, $0x2;
	s5 =	sadd.s32 $0x2EE0, s5;
	[sflag:s25] =	ssyncadd.s32 $0xFFFFFC18  }
0x71: {  	[tilespmem:s5], [sflag:s19] =	stream.indirect.gather [hbm4b:s4+s22], $0x8, s11, s22, $0xb8;
	[tilespmem:$0x1ADB0] =	vst v63  }
.LBB2_12:
0x72: {  	s5 =	sshrl.u32 s23, $0xA  }
0x73: {  	s5 =	sand.u32 $0x3F, s5  }
0x74: {  	s5 =	smul.u32 $0x6, s5;
	_ =	sdelay $0x1  }
0x75: {  	s3 =	ssub.s32 s3, s5  }
0x76: {  	s3 =	sand.u32 $0xFF, s3  }
0x77: {  	s25 =	sadd.s32 $0x1, s3;
	s11 =	smul.u32 $0x7D00, s3  }
0x78: {  	p2 =	sne.s32 s21, $0x64;
	s19 =	smul.u32 $0xFA0, s3;
	_ =	swait.ge [sflag:s25], $0x1F40  }
.Ltmp7:
0x79: {  	[sflag:s25] =	ssyncset.done $0x0;
	(pc) =	sbr.rel @!p2 .LBB2_13-.Ltmp7, $4  }
0x7a: {  	s23 =	sshrl.u32 s11, $0x2;
	[sflag:s25] =	ssyncadd.s32 $0xFFFFE0C0;
	s25 =	sshrl.u32 s19, $0x2  }
0x7b: {  	s3 =	sadd.s32 $0x7, s3;
	s5 =	sadd.s32 $0x2EE0, s23;
	s11 =	sadd.s32 $0x1770, s25  }
0x7c: {  	[spmem:s1] =	stream.indirect.scatter.add.f32 [tilespmem:s5], [sflag:s3], $0x8, s11, s22, $0xb8;
	[tilespmem:$0x1ADB0] =	vst v63  }
0x7d: {  	s17 =	sadd.s32 $0x7D, s17;
	s18 =	sadd.s32 $0x7D, s18;
	s3 =	smov.u32 s21  }
.LBB2_8:
0x7e: {  	p2 =	slt.u32 s3, $0x4  }
0x7f: {  	s21 =	sadd.s32 @!p2 $0xFFFFFFFC, s3  }
0x80: {  	s23 =	sand.u32 @!p2 $0xFF, s21  }
0x81: {  	s23 =	smul.u32 @!p2 $0xAB, s23;
	_ =	sdelay $0x1  }
0x82: {  	s23 =	sshrl.u32 @!p2 s23, $0xA  }
0x83: {  	s23 =	smul.u32 @!p2 $0x6, s23  }
0x84: {  	p3 =	sgt.u32 @!p2 s3, $0x61  }
0x85: {  	p3 =	por p2, !p3;
	s21 =	ssub.s32 @!p2 s21, s23  }
.Ltmp8:
0x86: {  	s21 =	sand.u32 @!p2 $0xFF, s21;
	(pc) =	sbr.rel @p3 .LBB2_9-.Ltmp8, $4  }
0x87: {  	s19 =	sadd.s32 @!p2 $0x7, s21  }
0x88: {  	_ =	swait.ge @!p2 [sflag:s19], $0x1F40  }
0x89: {  	s23 =	smul.u32 $0xAB, s3;
	[sflag:s19] =	ssyncset.done @!p2 $0x0  }
0x8a: {  	s21 =	sadd.s32 $0x1, s3;
	[sflag:s19] =	ssyncadd.s32 @!p2 $0xFFFFE0C0  }
0x8b: {  	p2 =	seq.s32 s3, $0x63  }
.Ltmp9:
0x8c: {  	_ = 	snop;
	(pc) =	sbr.rel @p2 .LBB2_12-.Ltmp9, $4  }
.Ltmp10:
0x8d: {  	_ = 	snop;
	(pc) =	sbr.rel @!p2 .LBB2_11-.Ltmp10, $4  }
0x8e: {  	_ = 	snop  }
0x8f: {  	_ = 	snop  }
0x90: {  	_ = 	snop  }
0x91: {  	_ = 	snop  }
.LBB2_14:
0x92: {  	_ =	sfence.sel $0x180000  }
0x93: {  	[bflag:$0x0] =	sbarrier.arrive $0xFFFF  }
0x94: {  	_ =	strace $0x9000004A  }
0x95: {  	s0 =	stileid.u32;
	[bflag:$0x2] =	sbarrier.arrive $0xFFFF  }
0x96: {  	p0 =	sne.s32 s0, $0x0;
	s0 =	rddreg [dreg:$0x2]  }
0x97: {  	s0 =	sadd.s32 @!p0 $0x100000, s0  }
0x98: {  	[sflag:s0] =	ssyncadd.tile.s32 @!p0 $0x1;
	_ =	shalt  }
.Lfunc_end2:
_tile_overlayer_lowered:
.L_overlay_start_2:
0x99: {  	(tag) =	ssettag $0x2  }
0x9a: {  	s0 =	rddreg [dreg:$0x0];
	s2 =	stileid.u32  }
0x9b: {  	s1 =	rddreg [dreg:$0x1];
	p0 =	sne.s32 s2, $0x0  }
0x9c: {  	s3 =	rddreg [dreg:$0x2];
	[bflag:$0x3] =	sbarrier.arrive $0xFFFF;
	s2 =	simm.s32 @!p0 $0x1C13  }
0x9d: {  	[timem:s3], [sflag:s2] =	dma.local @!p0 [hbm:s0], s1  }
0x9e: {  	s0 =	simm.s32 @!p0 $0x13  }
0x9f: {  	_ =	swait.ge @!p0 [sflag:s0], s1  }
0xa0: {  	s1 =	ssub.s32 @!p0 $0x0, s1;
	[sflag:s0] =	ssyncset.done @!p0 $0x0  }
0xa1: {  	[sflag:s0] =	ssyncadd.s32 @!p0 s1  }
0xa2: {  	[bflag:$0x3] =	sbarrier.arrive $0xFFFF  }
0xa3: {  	_ =	shalt  }

</sc_bundles>
